<compile_context>
chip_gen: v7x
topology: tpu7x:2x2x1
jax: 0.10.2.dev20260603
libtpu: 0.0.44.dev20260713+nightly
codegen_flags: <defaults>
</compile_context>

<pallas_src>
import functools

import jax
import jax.numpy as jnp
from jax import lax
from jax.experimental import pallas as pl
from jax.experimental.pallas import tpu as pltpu
from jax.experimental.pallas import tpu_sc as plsc

S = 2048
D = 1024
P = 64
K = 8
NC, NS = 2, 16
NW = NC * NS
B = S * K
NREP = 16
FRAC = 4
BSC = B // FRAC
ST = S // FRAC
BPW = BSC // NW
SPW = ST // NW
CH = K
NCH = BPW // CH
NBUF = 4
EM = 2048


def _pooler_body(x_ref, w1_ref, b1_ref, g1_ref, bt1_ref, w2_ref, b2_ref,
                 g2_ref, bt2_ref, idx_ref, t_ref, oh_ref):
    x = x_ref[...]
    h = jnp.dot(x, w1_ref[...], preferred_element_type=jnp.float32)
    h = h + b1_ref[...]
    h = jnp.maximum(h, 0.0)
    mu = jnp.mean(h, axis=-1, keepdims=True)
    var = jnp.mean(jnp.square(h - mu), axis=-1, keepdims=True)
    h = (h - mu) / jnp.sqrt(var + 1e-5) * g1_ref[...] + bt1_ref[...]

    sig = jax.nn.sigmoid(h)
    cols = lax.broadcasted_iota(jnp.int32, (S, P), 1)
    s = sig
    parts = []
    for k in range(K):
        m = jnp.max(s, axis=1, keepdims=True)
        am = jnp.min(jnp.where(s == m, cols, P), axis=1, keepdims=True)
        parts.append(am)
        oh_ref[:, k, :] = jnp.where(cols[ST:] == am[ST:], 1.0, 0.0)
        s = jnp.where(cols == am, -1.0, s)
    idx_ref[...] = jnp.concatenate(parts, axis=1)

    hc = h[:P]
    t = jnp.dot(hc, w2_ref[...], preferred_element_type=jnp.float32)
    t = t + b2_ref[...]
    t = jnp.maximum(t, 0.0)
    mu2 = jnp.mean(t, axis=-1, keepdims=True)
    var2 = jnp.mean(jnp.square(t - mu2), axis=-1, keepdims=True)
    t = (t - mu2) / jnp.sqrt(var2 + 1e-5) * g2_ref[...] + bt2_ref[...]
    t_ref[...] = jnp.broadcast_to(t[None], (NREP, P, D))


def _pooler_tc(x2, w1, b1, g1, bt1, w2, b2, g2, bt2):
    return pl.pallas_call(
        _pooler_body,
        out_shape=[
            jax.ShapeDtypeStruct((S, K), jnp.int32),
            jax.ShapeDtypeStruct((NREP, P, D), jnp.float32),
            jax.ShapeDtypeStruct((S - ST, K, P), jnp.float32),
        ],
    )(x2, w1, b1, g1, bt1, w2, b2, g2, bt2)


def _gather_body(t_hbm, idx_hbm, out_hbm, idx_v, rows_v, gsem, wsem):
    wid = lax.axis_index("s") * NC + lax.axis_index("c")
    base = wid * BPW
    t_mine = t_hbm.at[wid % NREP]
    pltpu.sync_copy(idx_hbm.at[pl.ds(wid * SPW, SPW)], idx_v)
    gh = [None] * NCH
    wh = [None] * NCH
    for j in range(NCH + 1):
        if j < NCH:
            if j >= NBUF:
                wh[j - NBUF].wait()
            gh[j] = pltpu.async_copy(t_mine.at[idx_v.at[j]], rows_v.at[j % NBUF], gsem)
        if j >= 1:
            p = j - 1
            gh[p].wait()
            wh[p] = pltpu.async_copy(
                rows_v.at[p % NBUF], out_hbm.at[pl.ds(base + p * CH, CH)], wsem)
    for j in range(max(0, NCH - NBUF), NCH):
        wh[j].wait()


@functools.lru_cache(maxsize=None)
def _gather_sc():
    return pl.kernel(
        _gather_body,
        mesh=plsc.VectorSubcoreMesh(core_axis_name="c", subcore_axis_name="s"),
        out_type=jax.ShapeDtypeStruct((B, D), jnp.float32),
        scratch_types=[
            pltpu.VMEM((SPW, K), jnp.int32),
            pltpu.VMEM((NBUF, CH, D), jnp.float32),
            pltpu.SemaphoreType.DMA,
            pltpu.SemaphoreType.DMA,
        ],
    )


def _expand_body(oh_ref, t_ref, acc_ref, out_ref):
    del acc_ref
    out_ref[...] = jnp.dot(oh_ref[...], t_ref[0],
                           preferred_element_type=jnp.float32)


def _expand_tc(oh_flat, t, out_sc):
    grid = ((B - BSC) // EM,)
    return pl.pallas_call(
        _expand_body,
        grid=grid,
        in_specs=[
            pl.BlockSpec((EM, P), lambda i: (i, 0)),
            pl.BlockSpec((1, P, D), lambda i: (0, 0, 0)),
            pl.BlockSpec(memory_space=pl.ANY),
        ],
        out_specs=pl.BlockSpec((EM, D), lambda i: (BSC // EM + i, 0)),
        out_shape=jax.ShapeDtypeStruct((B, D), jnp.float32),
        input_output_aliases={2: 0},
    )(oh_flat, t, out_sc)


def kernel(x, W1, b1, g1, bt1, W2, b2, g2, bt2):
    x2 = x.reshape(S, D)
    idx, t, oh = _pooler_tc(
        x2, W1,
        b1.reshape(1, P), g1.reshape(1, P), bt1.reshape(1, P),
        W2,
        b2.reshape(1, D), g2.reshape(1, D), bt2.reshape(1, D),
    )
    out_sc = _gather_sc()(t, idx)
    out = _expand_tc(oh.reshape(B - BSC, P), t, out_sc)
    return out.reshape(1, S, K, D)

# --- scband reference (transcript-rebuilt; emitter-appended) ---
"""Pipeline reference for scband-token-pooler-top-k-57329223467565 (READ-ONLY COPY).

The authoritative reference and input builder live on the scoring server;
editing this copy changes nothing except your own understanding.
"""

import jax, jax.numpy as jnp
import numpy as np

TOP_K = 8

def layer_norm(x, g, b, eps=1e-5):
    mu = jnp.mean(x, axis=-1, keepdims=True)
    var = jnp.mean(jnp.square(x - mu), axis=-1, keepdims=True)
    return (x - mu) / jnp.sqrt(var + eps) * g + b

def setup_inputs(seed: int = 0) -> dict:
    key = jax.random.key(seed)
    ks = jax.random.split(key, 4)
    dim, pooling_dim = 1024, 64
    x = jax.random.normal(ks[0], (1, 2048, dim), dtype=jnp.float32)
    W1 = jax.random.normal(ks[1], (dim, pooling_dim), dtype=jnp.float32) * 0.02
    b1 = jnp.zeros((pooling_dim,), dtype=jnp.float32)
    g1 = jnp.ones((pooling_dim,), dtype=jnp.float32)
    bt1 = jnp.zeros((pooling_dim,), dtype=jnp.float32)
    W2 = jax.random.normal(ks[2], (pooling_dim, dim), dtype=jnp.float32) * 0.02
    b2 = jnp.zeros((dim,), dtype=jnp.float32)
    g2 = jnp.ones((dim,), dtype=jnp.float32)
    bt2 = jnp.zeros((dim,), dtype=jnp.float32)
    return {"x": x, "W1": W1, "b1": b1, "g1": g1, "bt1": bt1, "W2": W2, "b2": b2, "g2": g2, "bt2": bt2}

def reference(x, W1, b1, g1, bt1, W2, b2, g2, bt2):
    # linear_reduction: Linear -> ReLU -> LayerNorm
    h = jnp.einsum('bsd,dp->bsp', x, W1) + b1
    h = jax.nn.relu(h)
    h = layer_norm(h, g1, bt1)
    # process_sequence: sigmoid_seq = sigmoid(seq); sum over dim 0; topk over last dim; gather along dim 1
    sig = jax.nn.sigmoid(h)
    summed = jnp.sum(sig, axis=0)                  # [S, P]
    top_k_values, top_k_indices = jax.lax.top_k(summed, TOP_K)  # [S, k]
    sampled = h[:, top_k_indices]                  # [B, S, k, P] (advanced indexing along dim 1)
    # linear_expand: Linear -> ReLU -> LayerNorm
    o = jnp.einsum('bskp,pd->bskd', sampled, W2) + b2
    o = jax.nn.relu(o)
    o = layer_norm(o, g2, bt2)
    return o

if __name__ == "__main__":
    import jax
    _d = setup_inputs()
    print(jax.jit(kernel)(*tuple(_d.values())))

</pallas_src>

<mosaic_0001>
#map = affine_map<(d0, d1) -> (0, 0, 0)>
#map1 = affine_map<(d0, d1) -> (0, 0)>
module attributes {stable_mosaic.version = 14 : i64} {
  func.func @_gather_body(%arg0: i32, %arg1: i32, %arg2: memref<16x64x1024xf32, #tpu.memory_space<hbm>>, %arg3: memref<2048x8xi32, #tpu.memory_space<hbm>>, %arg4: memref<16384x1024xf32, #tpu.memory_space<hbm>>, %arg5: memref<16x8xi32, #tpu.memory_space<vmem>>, %arg6: memref<4x8x1024xf32, #tpu.memory_space<vmem>>, %arg7: memref<!tpu.dma_semaphore, #tpu.memory_space<semaphore_mem>>, %arg8: memref<!tpu.dma_semaphore, #tpu.memory_space<semaphore_mem>>) attributes {dimension_semantics = [#tpu.dimension_semantics<core_parallel>, #tpu.dimension_semantics<subcore_parallel>], iteration_bounds = array<i64: 2, 16>, scalar_prefetch = 0 : i64, scratch_operands = 4 : i64, tpu.core_type = #tpu.core_type<sc_vector_subcore>, window_params = [{transform_indices = #map}, {transform_indices = #map1}, {transform_indices = #map1}]} {
    %mul3A = arith.constant 2 : i32
    %mul3A_0 = arith.muli %arg1, %mul3A : i32
    %add3A = arith.addi %mul3A_0, %arg0 : i32
    %mul3A_1 = arith.constant 128 : i32
    %mul3A_2 = arith.muli %add3A, %mul3A_1 : i32
    %jit3A = arith.constant 16 : i32
    %eq3A = arith.constant 0 : i32
    %eq3A_3 = arith.cmpi eq, %jit3A, %eq3A : i32
    %jit3A_4 = arith.constant 1 : i32
    %select_n3A = arith.select %eq3A_3, %jit3A_4, %jit3A : i32
    %rem3A = arith.remsi %add3A, %select_n3A : i32
    %ne3A = arith.constant 0 : i32
    %ne3A_5 = arith.cmpi ne, %rem3A, %ne3A : i32
    %lt3A = arith.constant 0 : i32
    %lt3A_6 = arith.cmpi slt, %rem3A, %lt3A : i32
    %lt3A_7 = arith.constant 0 : i32
    %lt3A_8 = arith.cmpi slt, %select_n3A, %lt3A_7 : i32
    %ne3A_9 = arith.xori %lt3A_6, %lt3A_8 : i1
    %and3A = arith.andi %ne3A_9, %ne3A_5 : i1
    %add3A_10 = arith.addi %rem3A, %select_n3A : i32
    %select_n3A_11 = arith.select %and3A, %add3A_10, %rem3A : i32
    %mul3A_12 = arith.constant 16 : i32
    %mul3A_13 = arith.muli %add3A, %mul3A_12 : i32
    "tpu.region"() ({
      %run_scoped3A = tpu.sem_alloc : memref<!tpu.dma_semaphore, #tpu.memory_space<semaphore_mem>>
      %dma_start3A_972 = arith.constant 0 : i32
      %dma_start3A_973 = tpu.memref_slice %arg3[%mul3A_13, %dma_start3A_972] : memref<2048x8xi32, #tpu.memory_space<hbm>> -> memref<16x8xi32, #tpu.memory_space<hbm>>
      %dma_start3A_974 = arith.constant 0 : i32
      %dma_start3A_975 = tpu.memref_slice %arg3[%mul3A_13, %dma_start3A_974] : memref<2048x8xi32, #tpu.memory_space<hbm>> -> memref<16x8xi32, #tpu.memory_space<hbm>>
      tpu.enqueue_dma source(%dma_start3A_975 : memref<16x8xi32, #tpu.memory_space<hbm>>) target(%arg5 : memref<16x8xi32, #tpu.memory_space<vmem>>) target_semaphore(%run_scoped3A : memref<!tpu.dma_semaphore, #tpu.memory_space<semaphore_mem>>)
      %dma_wait3A_976 = arith.constant 0 : i32
      %dma_wait3A_977 = tpu.memref_slice %arg3[%mul3A_13, %dma_wait3A_976] : memref<2048x8xi32, #tpu.memory_space<hbm>> -> memref<16x8xi32, #tpu.memory_space<hbm>>
      %dma_wait3A_978 = arith.constant 0 : i32
      %dma_wait3A_979 = tpu.memref_slice %arg3[%mul3A_13, %dma_wait3A_978] : memref<2048x8xi32, #tpu.memory_space<hbm>> -> memref<16x8xi32, #tpu.memory_space<hbm>>
      tpu.wait_dma2 semaphore(%run_scoped3A : memref<!tpu.dma_semaphore, #tpu.memory_space<semaphore_mem>>) src(%dma_wait3A_979 : memref<16x8xi32, #tpu.memory_space<hbm>>) dst(%arg5 : memref<16x8xi32, #tpu.memory_space<vmem>>)
      tpu.yield
    }) : () -> ()
    %dma_start3A = arith.constant 0 : i32
    %dma_start3A_14 = arith.constant 0 : i32
    %dma_start3A_15 = arith.constant 0 : i32
    %dma_start3A_16 = arith.constant 0 : i32
    %dma_start3A_17 = tpu.memref_slice %arg6[%dma_start3A_14, %dma_start3A_15, %dma_start3A_16] : memref<4x8x1024xf32, #tpu.memory_space<vmem>> -> memref<1x8x1024xf32, #tpu.memory_space<vmem>>
    %dma_start3A_18 = tpu.memref_squeeze %dma_start3A_17 : memref<1x8x1024xf32, #tpu.memory_space<vmem>> -> memref<8x1024xf32, #tpu.memory_space<vmem>>
    %dma_start3A_19 = arith.constant 0 : i32
    %dma_start3A_20 = tpu.memref_slice %arg5[%dma_start3A, %dma_start3A_19] : memref<16x8xi32, #tpu.memory_space<vmem>> -> memref<1x8xi32, #tpu.memory_space<vmem>>
    %dma_start3A_21 = tpu.memref_squeeze %dma_start3A_20 : memref<1x8xi32, #tpu.memory_space<vmem>> -> memref<8xi32, #tpu.memory_space<vmem>>
    %dma_start3A_22 = arith.constant 0 : i32
    %dma_start3A_23 = arith.constant 0 : i32
    %dma_start3A_24 = tpu.memref_slice %arg2[%select_n3A_11, %dma_start3A_22, %dma_start3A_23] : memref<16x64x1024xf32, #tpu.memory_space<hbm>> -> memref<1x64x1024xf32, #tpu.memory_space<hbm>>
    %dma_start3A_25 = tpu.memref_squeeze %dma_start3A_24 : memref<1x64x1024xf32, #tpu.memory_space<hbm>> -> memref<64x1024xf32, #tpu.memory_space<hbm>>
    %dma_start3A_26 = arith.constant 0 : i32
    %dma_start3A_27 = arith.constant 0 : i32
    %dma_start3A_28 = tpu.memref_slice %dma_start3A_25[%dma_start3A_26, %dma_start3A_27] : memref<64x1024xf32, #tpu.memory_space<hbm>> -> memref<64x1024xf32, #tpu.memory_space<hbm>>
    tpu.enqueue_indirect_dma source(%dma_start3A_28 : memref<64x1024xf32, #tpu.memory_space<hbm>>) target(%dma_start3A_18 : memref<8x1024xf32, #tpu.memory_space<vmem>>) offsets(%dma_start3A_21 : memref<8xi32, #tpu.memory_space<vmem>>) semaphore(%arg7 : memref<!tpu.dma_semaphore, #tpu.memory_space<semaphore_mem>>)
    %dma_start3A_29 = arith.constant 1 : i32
    %dma_start3A_30 = arith.constant 1 : i32
    %dma_start3A_31 = arith.constant 0 : i32
    %dma_start3A_32 = arith.constant 0 : i32
    %dma_start3A_33 = tpu.memref_slice %arg6[%dma_start3A_30, %dma_start3A_31, %dma_start3A_32] : memref<4x8x1024xf32, #tpu.memory_space<vmem>> -> memref<1x8x1024xf32, #tpu.memory_space<vmem>>
    %dma_start3A_34 = tpu.memref_squeeze %dma_start3A_33 : memref<1x8x1024xf32, #tpu.memory_space<vmem>> -> memref<8x1024xf32, #tpu.memory_space<vmem>>
    %dma_start3A_35 = arith.constant 0 : i32
    %dma_start3A_36 = tpu.memref_slice %arg5[%dma_start3A_29, %dma_start3A_35] : memref<16x8xi32, #tpu.memory_space<vmem>> -> memref<1x8xi32, #tpu.memory_space<vmem>>
    %dma_start3A_37 = tpu.memref_squeeze %dma_start3A_36 : memref<1x8xi32, #tpu.memory_space<vmem>> -> memref<8xi32, #tpu.memory_space<vmem>>
    %dma_start3A_38 = arith.constant 0 : i32
    %dma_start3A_39 = arith.constant 0 : i32
    %dma_start3A_40 = tpu.memref_slice %arg2[%select_n3A_11, %dma_start3A_38, %dma_start3A_39] : memref<16x64x1024xf32, #tpu.memory_space<hbm>> -> memref<1x64x1024xf32, #tpu.memory_space<hbm>>
    %dma_start3A_41 = tpu.memref_squeeze %dma_start3A_40 : memref<1x64x1024xf32, #tpu.memory_space<hbm>> -> memref<64x1024xf32, #tpu.memory_space<hbm>>
    %dma_start3A_42 = arith.constant 0 : i32
    %dma_start3A_43 = arith.constant 0 : i32
    %dma_start3A_44 = tpu.memref_slice %dma_start3A_41[%dma_start3A_42, %dma_start3A_43] : memref<64x1024xf32, #tpu.memory_space<hbm>> -> memref<64x1024xf32, #tpu.memory_space<hbm>>
    tpu.enqueue_indirect_dma source(%dma_start3A_44 : memref<64x1024xf32, #tpu.memory_space<hbm>>) target(%dma_start3A_34 : memref<8x1024xf32, #tpu.memory_space<vmem>>) offsets(%dma_start3A_37 : memref<8xi32, #tpu.memory_space<vmem>>) semaphore(%arg7 : memref<!tpu.dma_semaphore, #tpu.memory_space<semaphore_mem>>)
    %dma_wait3A = arith.constant 0 : i32
    %dma_wait3A_45 = arith.constant 0 : i32
    %dma_wait3A_46 = arith.constant 0 : i32
    %dma_wait3A_47 = arith.constant 0 : i32
    %dma_wait3A_48 = tpu.memref_slice %arg6[%dma_wait3A_45, %dma_wait3A_46, %dma_wait3A_47] : memref<4x8x1024xf32, #tpu.memory_space<vmem>> -> memref<1x8x1024xf32, #tpu.memory_space<vmem>>
    %dma_wait3A_49 = tpu.memref_squeeze %dma_wait3A_48 : memref<1x8x1024xf32, #tpu.memory_space<vmem>> -> memref<8x1024xf32, #tpu.memory_space<vmem>>
    %dma_wait3A_50 = arith.constant 0 : i32
    %dma_wait3A_51 = tpu.memref_slice %arg5[%dma_wait3A, %dma_wait3A_50] : memref<16x8xi32, #tpu.memory_space<vmem>> -> memref<1x8xi32, #tpu.memory_space<vmem>>
    %dma_wait3A_52 = tpu.memref_squeeze %dma_wait3A_51 : memref<1x8xi32, #tpu.memory_space<vmem>> -> memref<8xi32, #tpu.memory_space<vmem>>
    %dma_wait3A_53 = arith.constant 0 : i32
    %dma_wait3A_54 = arith.constant 0 : i32
    %dma_wait3A_55 = tpu.memref_slice %arg2[%select_n3A_11, %dma_wait3A_53, %dma_wait3A_54] : memref<16x64x1024xf32, #tpu.memory_space<hbm>> -> memref<1x64x1024xf32, #tpu.memory_space<hbm>>
    %dma_wait3A_56 = tpu.memref_squeeze %dma_wait3A_55 : memref<1x64x1024xf32, #tpu.memory_space<hbm>> -> memref<64x1024xf32, #tpu.memory_space<hbm>>
    %dma_wait3A_57 = arith.constant 0 : i32
    %dma_wait3A_58 = arith.constant 0 : i32
    %dma_wait3A_59 = tpu.memref_slice %dma_wait3A_56[%dma_wait3A_57, %dma_wait3A_58] : memref<64x1024xf32, #tpu.memory_space<hbm>> -> memref<64x1024xf32, #tpu.memory_space<hbm>>
    tpu.wait_indirect_dma semaphore(%arg7 : memref<!tpu.dma_semaphore, #tpu.memory_space<semaphore_mem>>) src(%dma_wait3A_59 : memref<64x1024xf32, #tpu.memory_space<hbm>>) dst(%dma_wait3A_49 : memref<8x1024xf32, #tpu.memory_space<vmem>>)
    %add3A_60 = arith.constant 0 : i32
    %add3A_61 = arith.addi %mul3A_2, %add3A_60 : i32
    %dma_start3A_62 = arith.constant 0 : i32
    %dma_start3A_63 = arith.constant 0 : i32
    %dma_start3A_64 = arith.constant 0 : i32
    %dma_start3A_65 = tpu.memref_slice %arg6[%dma_start3A_62, %dma_start3A_63, %dma_start3A_64] : memref<4x8x1024xf32, #tpu.memory_space<vmem>> -> memref<1x8x1024xf32, #tpu.memory_space<vmem>>
    %dma_start3A_66 = tpu.memref_squeeze %dma_start3A_65 : memref<1x8x1024xf32, #tpu.memory_space<vmem>> -> memref<8x1024xf32, #tpu.memory_space<vmem>>
    %dma_start3A_67 = arith.constant 0 : i32
    %dma_start3A_68 = tpu.memref_slice %arg4[%add3A_61, %dma_start3A_67] : memref<16384x1024xf32, #tpu.memory_space<hbm>> -> memref<8x1024xf32, #tpu.memory_space<hbm>>
    %dma_start3A_69 = arith.constant 0 : i32
    %dma_start3A_70 = tpu.memref_slice %arg4[%add3A_61, %dma_start3A_69] : memref<16384x1024xf32, #tpu.memory_space<hbm>> -> memref<8x1024xf32, #tpu.memory_space<hbm>>
    %dma_start3A_71 = arith.constant 0 : i32
    %dma_start3A_72 = arith.constant 0 : i32
    %dma_start3A_73 = tpu.memref_slice %arg6[%dma_start3A_62, %dma_start3A_71, %dma_start3A_72] : memref<4x8x1024xf32, #tpu.memory_space<vmem>> -> memref<1x8x1024xf32, #tpu.memory_space<vmem>>
    %dma_start3A_74 = tpu.memref_squeeze %dma_start3A_73 : memref<1x8x1024xf32, #tpu.memory_space<vmem>> -> memref<8x1024xf32, #tpu.memory_space<vmem>>
    tpu.enqueue_dma source(%dma_start3A_74 : memref<8x1024xf32, #tpu.memory_space<vmem>>) target(%dma_start3A_70 : memref<8x1024xf32, #tpu.memory_space<hbm>>) target_semaphore(%arg8 : memref<!tpu.dma_semaphore, #tpu.memory_space<semaphore_mem>>)
    %dma_start3A_75 = arith.constant 2 : i32
    %dma_start3A_76 = arith.constant 2 : i32
    %dma_start3A_77 = arith.constant 0 : i32
    %dma_start3A_78 = arith.constant 0 : i32
    %dma_start3A_79 = tpu.memref_slice %arg6[%dma_start3A_76, %dma_start3A_77, %dma_start3A_78] : memref<4x8x1024xf32, #tpu.memory_space<vmem>> -> memref<1x8x1024xf32, #tpu.memory_space<vmem>>
    %dma_start3A_80 = tpu.memref_squeeze %dma_start3A_79 : memref<1x8x1024xf32, #tpu.memory_space<vmem>> -> memref<8x1024xf32, #tpu.memory_space<vmem>>
    %dma_start3A_81 = arith.constant 0 : i32
    %dma_start3A_82 = tpu.memref_slice %arg5[%dma_start3A_75, %dma_start3A_81] : memref<16x8xi32, #tpu.memory_space<vmem>> -> memref<1x8xi32, #tpu.memory_space<vmem>>
    %dma_start3A_83 = tpu.memref_squeeze %dma_start3A_82 : memref<1x8xi32, #tpu.memory_space<vmem>> -> memref<8xi32, #tpu.memory_space<vmem>>
    %dma_start3A_84 = arith.constant 0 : i32
    %dma_start3A_85 = arith.constant 0 : i32
    %dma_start3A_86 = tpu.memref_slice %arg2[%select_n3A_11, %dma_start3A_84, %dma_start3A_85] : memref<16x64x1024xf32, #tpu.memory_space<hbm>> -> memref<1x64x1024xf32, #tpu.memory_space<hbm>>
    %dma_start3A_87 = tpu.memref_squeeze %dma_start3A_86 : memref<1x64x1024xf32, #tpu.memory_space<hbm>> -> memref<64x1024xf32, #tpu.memory_space<hbm>>
    %dma_start3A_88 = arith.constant 0 : i32
    %dma_start3A_89 = arith.constant 0 : i32
    %dma_start3A_90 = tpu.memref_slice %dma_start3A_87[%dma_start3A_88, %dma_start3A_89] : memref<64x1024xf32, #tpu.memory_space<hbm>> -> memref<64x1024xf32, #tpu.memory_space<hbm>>
    tpu.enqueue_indirect_dma source(%dma_start3A_90 : memref<64x1024xf32, #tpu.memory_space<hbm>>) target(%dma_start3A_80 : memref<8x1024xf32, #tpu.memory_space<vmem>>) offsets(%dma_start3A_83 : memref<8xi32, #tpu.memory_space<vmem>>) semaphore(%arg7 : memref<!tpu.dma_semaphore, #tpu.memory_space<semaphore_mem>>)
    %dma_wait3A_91 = arith.constant 1 : i32
    %dma_wait3A_92 = arith.constant 1 : i32
    %dma_wait3A_93 = arith.constant 0 : i32
    %dma_wait3A_94 = arith.constant 0 : i32
    %dma_wait3A_95 = tpu.memref_slice %arg6[%dma_wait3A_92, %dma_wait3A_93, %dma_wait3A_94] : memref<4x8x1024xf32, #tpu.memory_space<vmem>> -> memref<1x8x1024xf32, #tpu.memory_space<vmem>>
    %dma_wait3A_96 = tpu.memref_squeeze %dma_wait3A_95 : memref<1x8x1024xf32, #tpu.memory_space<vmem>> -> memref<8x1024xf32, #tpu.memory_space<vmem>>
    %dma_wait3A_97 = arith.constant 0 : i32
    %dma_wait3A_98 = tpu.memref_slice %arg5[%dma_wait3A_91, %dma_wait3A_97] : memref<16x8xi32, #tpu.memory_space<vmem>> -> memref<1x8xi32, #tpu.memory_space<vmem>>
    %dma_wait3A_99 = tpu.memref_squeeze %dma_wait3A_98 : memref<1x8xi32, #tpu.memory_space<vmem>> -> memref<8xi32, #tpu.memory_space<vmem>>
    %dma_wait3A_100 = arith.constant 0 : i32
    %dma_wait3A_101 = arith.constant 0 : i32
    %dma_wait3A_102 = tpu.memref_slice %arg2[%select_n3A_11, %dma_wait3A_100, %dma_wait3A_101] : memref<16x64x1024xf32, #tpu.memory_space<hbm>> -> memref<1x64x1024xf32, #tpu.memory_space<hbm>>
    %dma_wait3A_103 = tpu.memref_squeeze %dma_wait3A_102 : memref<1x64x1024xf32, #tpu.memory_space<hbm>> -> memref<64x1024xf32, #tpu.memory_space<hbm>>
    %dma_wait3A_104 = arith.constant 0 : i32
    %dma_wait3A_105 = arith.constant 0 : i32
    %dma_wait3A_106 = tpu.memref_slice %dma_wait3A_103[%dma_wait3A_104, %dma_wait3A_105] : memref<64x1024xf32, #tpu.memory_space<hbm>> -> memref<64x1024xf32, #tpu.memory_space<hbm>>
    tpu.wait_indirect_dma semaphore(%arg7 : memref<!tpu.dma_semaphore, #tpu.memory_space<semaphore_mem>>) src(%dma_wait3A_106 : memref<64x1024xf32, #tpu.memory_space<hbm>>) dst(%dma_wait3A_96 : memref<8x1024xf32, #tpu.memory_space<vmem>>)
    %add3A_107 = arith.constant 8 : i32
    %add3A_108 = arith.addi %mul3A_2, %add3A_107 : i32
    %dma_start3A_109 = arith.constant 1 : i32
    %dma_start3A_110 = arith.constant 0 : i32
    %dma_start3A_111 = arith.constant 0 : i32
    %dma_start3A_112 = tpu.memref_slice %arg6[%dma_start3A_109, %dma_start3A_110, %dma_start3A_111] : memref<4x8x1024xf32, #tpu.memory_space<vmem>> -> memref<1x8x1024xf32, #tpu.memory_space<vmem>>
    %dma_start3A_113 = tpu.memref_squeeze %dma_start3A_112 : memref<1x8x1024xf32, #tpu.memory_space<vmem>> -> memref<8x1024xf32, #tpu.memory_space<vmem>>
    %dma_start3A_114 = arith.constant 0 : i32
    %dma_start3A_115 = tpu.memref_slice %arg4[%add3A_108, %dma_start3A_114] : memref<16384x1024xf32, #tpu.memory_space<hbm>> -> memref<8x1024xf32, #tpu.memory_space<hbm>>
    %dma_start3A_116 = arith.constant 0 : i32
    %dma_start3A_117 = tpu.memref_slice %arg4[%add3A_108, %dma_start3A_116] : memref<16384x1024xf32, #tpu.memory_space<hbm>> -> memref<8x1024xf32, #tpu.memory_space<hbm>>
    %dma_start3A_118 = arith.constant 0 : i32
    %dma_start3A_119 = arith.constant 0 : i32
    %dma_start3A_120 = tpu.memref_slice %arg6[%dma_start3A_109, %dma_start3A_118, %dma_start3A_119] : memref<4x8x1024xf32, #tpu.memory_space<vmem>> -> memref<1x8x1024xf32, #tpu.memory_space<vmem>>
    %dma_start3A_121 = tpu.memref_squeeze %dma_start3A_120 : memref<1x8x1024xf32, #tpu.memory_space<vmem>> -> memref<8x1024xf32, #tpu.memory_space<vmem>>
    tpu.enqueue_dma source(%dma_start3A_121 : memref<8x1024xf32, #tpu.memory_space<vmem>>) target(%dma_start3A_117 : memref<8x1024xf32, #tpu.memory_space<hbm>>) target_semaphore(%arg8 : memref<!tpu.dma_semaphore, #tpu.memory_space<semaphore_mem>>)
    %dma_start3A_122 = arith.constant 3 : i32
    %dma_start3A_123 = arith.constant 3 : i32
    %dma_start3A_124 = arith.constant 0 : i32
    %dma_start3A_125 = arith.constant 0 : i32
    %dma_start3A_126 = tpu.memref_slice %arg6[%dma_start3A_123, %dma_start3A_124, %dma_start3A_125] : memref<4x8x1024xf32, #tpu.memory_space<vmem>> -> memref<1x8x1024xf32, #tpu.memory_space<vmem>>
    %dma_start3A_127 = tpu.memref_squeeze %dma_start3A_126 : memref<1x8x1024xf32, #tpu.memory_space<vmem>> -> memref<8x1024xf32, #tpu.memory_space<vmem>>
    %dma_start3A_128 = arith.constant 0 : i32
    %dma_start3A_129 = tpu.memref_slice %arg5[%dma_start3A_122, %dma_start3A_128] : memref<16x8xi32, #tpu.memory_space<vmem>> -> memref<1x8xi32, #tpu.memory_space<vmem>>
    %dma_start3A_130 = tpu.memref_squeeze %dma_start3A_129 : memref<1x8xi32, #tpu.memory_space<vmem>> -> memref<8xi32, #tpu.memory_space<vmem>>
    %dma_start3A_131 = arith.constant 0 : i32
    %dma_start3A_132 = arith.constant 0 : i32
    %dma_start3A_133 = tpu.memref_slice %arg2[%select_n3A_11, %dma_start3A_131, %dma_start3A_132] : memref<16x64x1024xf32, #tpu.memory_space<hbm>> -> memref<1x64x1024xf32, #tpu.memory_space<hbm>>
    %dma_start3A_134 = tpu.memref_squeeze %dma_start3A_133 : memref<1x64x1024xf32, #tpu.memory_space<hbm>> -> memref<64x1024xf32, #tpu.memory_space<hbm>>
    %dma_start3A_135 = arith.constant 0 : i32
    %dma_start3A_136 = arith.constant 0 : i32
    %dma_start3A_137 = tpu.memref_slice %dma_start3A_134[%dma_start3A_135, %dma_start3A_136] : memref<64x1024xf32, #tpu.memory_space<hbm>> -> memref<64x1024xf32, #tpu.memory_space<hbm>>
    tpu.enqueue_indirect_dma source(%dma_start3A_137 : memref<64x1024xf32, #tpu.memory_space<hbm>>) target(%dma_start3A_127 : memref<8x1024xf32, #tpu.memory_space<vmem>>) offsets(%dma_start3A_130 : memref<8xi32, #tpu.memory_space<vmem>>) semaphore(%arg7 : memref<!tpu.dma_semaphore, #tpu.memory_space<semaphore_mem>>)
    %dma_wait3A_138 = arith.constant 2 : i32
    %dma_wait3A_139 = arith.constant 2 : i32
    %dma_wait3A_140 = arith.constant 0 : i32
    %dma_wait3A_141 = arith.constant 0 : i32
    %dma_wait3A_142 = tpu.memref_slice %arg6[%dma_wait3A_139, %dma_wait3A_140, %dma_wait3A_141] : memref<4x8x1024xf32, #tpu.memory_space<vmem>> -> memref<1x8x1024xf32, #tpu.memory_space<vmem>>
    %dma_wait3A_143 = tpu.memref_squeeze %dma_wait3A_142 : memref<1x8x1024xf32, #tpu.memory_space<vmem>> -> memref<8x1024xf32, #tpu.memory_space<vmem>>
    %dma_wait3A_144 = arith.constant 0 : i32
    %dma_wait3A_145 = tpu.memref_slice %arg5[%dma_wait3A_138, %dma_wait3A_144] : memref<16x8xi32, #tpu.memory_space<vmem>> -> memref<1x8xi32, #tpu.memory_space<vmem>>
    %dma_wait3A_146 = tpu.memref_squeeze %dma_wait3A_145 : memref<1x8xi32, #tpu.memory_space<vmem>> -> memref<8xi32, #tpu.memory_space<vmem>>
    %dma_wait3A_147 = arith.constant 0 : i32
    %dma_wait3A_148 = arith.constant 0 : i32
    %dma_wait3A_149 = tpu.memref_slice %arg2[%select_n3A_11, %dma_wait3A_147, %dma_wait3A_148] : memref<16x64x1024xf32, #tpu.memory_space<hbm>> -> memref<1x64x1024xf32, #tpu.memory_space<hbm>>
    %dma_wait3A_150 = tpu.memref_squeeze %dma_wait3A_149 : memref<1x64x1024xf32, #tpu.memory_space<hbm>> -> memref<64x1024xf32, #tpu.memory_space<hbm>>
    %dma_wait3A_151 = arith.constant 0 : i32
    %dma_wait3A_152 = arith.constant 0 : i32
    %dma_wait3A_153 = tpu.memref_slice %dma_wait3A_150[%dma_wait3A_151, %dma_wait3A_152] : memref<64x1024xf32, #tpu.memory_space<hbm>> -> memref<64x1024xf32, #tpu.memory_space<hbm>>
    tpu.wait_indirect_dma semaphore(%arg7 : memref<!tpu.dma_semaphore, #tpu.memory_space<semaphore_mem>>) src(%dma_wait3A_153 : memref<64x1024xf32, #tpu.memory_space<hbm>>) dst(%dma_wait3A_143 : memref<8x1024xf32, #tpu.memory_space<vmem>>)
    %add3A_154 = arith.constant 16 : i32
    %add3A_155 = arith.addi %mul3A_2, %add3A_154 : i32
    %dma_start3A_156 = arith.constant 2 : i32
    %dma_start3A_157 = arith.constant 0 : i32
    %dma_start3A_158 = arith.constant 0 : i32
    %dma_start3A_159 = tpu.memref_slice %arg6[%dma_start3A_156, %dma_start3A_157, %dma_start3A_158] : memref<4x8x1024xf32, #tpu.memory_space<vmem>> -> memref<1x8x1024xf32, #tpu.memory_space<vmem>>
    %dma_start3A_160 = tpu.memref_squeeze %dma_start3A_159 : memref<1x8x1024xf32, #tpu.memory_space<vmem>> -> memref<8x1024xf32, #tpu.memory_space<vmem>>
    %dma_start3A_161 = arith.constant 0 : i32
    %dma_start3A_162 = tpu.memref_slice %arg4[%add3A_155, %dma_start3A_161] : memref<16384x1024xf32, #tpu.memory_space<hbm>> -> memref<8x1024xf32, #tpu.memory_space<hbm>>
    %dma_start3A_163 = arith.constant 0 : i32
    %dma_start3A_164 = tpu.memref_slice %arg4[%add3A_155, %dma_start3A_163] : memref<16384x1024xf32, #tpu.memory_space<hbm>> -> memref<8x1024xf32, #tpu.memory_space<hbm>>
    %dma_start3A_165 = arith.constant 0 : i32
    %dma_start3A_166 = arith.constant 0 : i32
    %dma_start3A_167 = tpu.memref_slice %arg6[%dma_start3A_156, %dma_start3A_165, %dma_start3A_166] : memref<4x8x1024xf32, #tpu.memory_space<vmem>> -> memref<1x8x1024xf32, #tpu.memory_space<vmem>>
    %dma_start3A_168 = tpu.memref_squeeze %dma_start3A_167 : memref<1x8x1024xf32, #tpu.memory_space<vmem>> -> memref<8x1024xf32, #tpu.memory_space<vmem>>
    tpu.enqueue_dma source(%dma_start3A_168 : memref<8x1024xf32, #tpu.memory_space<vmem>>) target(%dma_start3A_164 : memref<8x1024xf32, #tpu.memory_space<hbm>>) target_semaphore(%arg8 : memref<!tpu.dma_semaphore, #tpu.memory_space<semaphore_mem>>)
    %dma_wait3A_169 = arith.constant 0 : i32
    %dma_wait3A_170 = arith.constant 0 : i32
    %dma_wait3A_171 = arith.constant 0 : i32
    %dma_wait3A_172 = tpu.memref_slice %arg6[%dma_wait3A_169, %dma_wait3A_170, %dma_wait3A_171] : memref<4x8x1024xf32, #tpu.memory_space<vmem>> -> memref<1x8x1024xf32, #tpu.memory_space<vmem>>
    %dma_wait3A_173 = tpu.memref_squeeze %dma_wait3A_172 : memref<1x8x1024xf32, #tpu.memory_space<vmem>> -> memref<8x1024xf32, #tpu.memory_space<vmem>>
    %dma_wait3A_174 = arith.constant 0 : i32
    %dma_wait3A_175 = tpu.memref_slice %arg4[%add3A_61, %dma_wait3A_174] : memref<16384x1024xf32, #tpu.memory_space<hbm>> -> memref<8x1024xf32, #tpu.memory_space<hbm>>
    %dma_wait3A_176 = arith.constant 0 : i32
    %dma_wait3A_177 = tpu.memref_slice %arg4[%add3A_61, %dma_wait3A_176] : memref<16384x1024xf32, #tpu.memory_space<hbm>> -> memref<8x1024xf32, #tpu.memory_space<hbm>>
    %dma_wait3A_178 = arith.constant 0 : i32
    %dma_wait3A_179 = arith.constant 0 : i32
    %dma_wait3A_180 = tpu.memref_slice %arg6[%dma_wait3A_169, %dma_wait3A_178, %dma_wait3A_179] : memref<4x8x1024xf32, #tpu.memory_space<vmem>> -> memref<1x8x1024xf32, #tpu.memory_space<vmem>>
    %dma_wait3A_181 = tpu.memref_squeeze %dma_wait3A_180 : memref<1x8x1024xf32, #tpu.memory_space<vmem>> -> memref<8x1024xf32, #tpu.memory_space<vmem>>
    tpu.wait_dma2 semaphore(%arg8 : memref<!tpu.dma_semaphore, #tpu.memory_space<semaphore_mem>>) src(%dma_wait3A_181 : memref<8x1024xf32, #tpu.memory_space<vmem>>) dst(%dma_wait3A_177 : memref<8x1024xf32, #tpu.memory_space<hbm>>)
    %dma_start3A_182 = arith.constant 4 : i32
    %dma_start3A_183 = arith.constant 0 : i32
    %dma_start3A_184 = arith.constant 0 : i32
    %dma_start3A_185 = arith.constant 0 : i32
    %dma_start3A_186 = tpu.memref_slice %arg6[%dma_start3A_183, %dma_start3A_184, %dma_start3A_185] : memref<4x8x1024xf32, #tpu.memory_space<vmem>> -> memref<1x8x1024xf32, #tpu.memory_space<vmem>>
    %dma_start3A_187 = tpu.memref_squeeze %dma_start3A_186 : memref<1x8x1024xf32, #tpu.memory_space<vmem>> -> memref<8x1024xf32, #tpu.memory_space<vmem>>
    %dma_start3A_188 = arith.constant 0 : i32
    %dma_start3A_189 = tpu.memref_slice %arg5[%dma_start3A_182, %dma_start3A_188] : memref<16x8xi32, #tpu.memory_space<vmem>> -> memref<1x8xi32, #tpu.memory_space<vmem>>
    %dma_start3A_190 = tpu.memref_squeeze %dma_start3A_189 : memref<1x8xi32, #tpu.memory_space<vmem>> -> memref<8xi32, #tpu.memory_space<vmem>>
    %dma_start3A_191 = arith.constant 0 : i32
    %dma_start3A_192 = arith.constant 0 : i32
    %dma_start3A_193 = tpu.memref_slice %arg2[%select_n3A_11, %dma_start3A_191, %dma_start3A_192] : memref<16x64x1024xf32, #tpu.memory_space<hbm>> -> memref<1x64x1024xf32, #tpu.memory_space<hbm>>
    %dma_start3A_194 = tpu.memref_squeeze %dma_start3A_193 : memref<1x64x1024xf32, #tpu.memory_space<hbm>> -> memref<64x1024xf32, #tpu.memory_space<hbm>>
    %dma_start3A_195 = arith.constant 0 : i32
    %dma_start3A_196 = arith.constant 0 : i32
    %dma_start3A_197 = tpu.memref_slice %dma_start3A_194[%dma_start3A_195, %dma_start3A_196] : memref<64x1024xf32, #tpu.memory_space<hbm>> -> memref<64x1024xf32, #tpu.memory_space<hbm>>
    tpu.enqueue_indirect_dma source(%dma_start3A_197 : memref<64x1024xf32, #tpu.memory_space<hbm>>) target(%dma_start3A_187 : memref<8x1024xf32, #tpu.memory_space<vmem>>) offsets(%dma_start3A_190 : memref<8xi32, #tpu.memory_space<vmem>>) semaphore(%arg7 : memref<!tpu.dma_semaphore, #tpu.memory_space<semaphore_mem>>)
    %dma_wait3A_198 = arith.constant 3 : i32
    %dma_wait3A_199 = arith.constant 3 : i32
    %dma_wait3A_200 = arith.constant 0 : i32
    %dma_wait3A_201 = arith.constant 0 : i32
    %dma_wait3A_202 = tpu.memref_slice %arg6[%dma_wait3A_199, %dma_wait3A_200, %dma_wait3A_201] : memref<4x8x1024xf32, #tpu.memory_space<vmem>> -> memref<1x8x1024xf32, #tpu.memory_space<vmem>>
    %dma_wait3A_203 = tpu.memref_squeeze %dma_wait3A_202 : memref<1x8x1024xf32, #tpu.memory_space<vmem>> -> memref<8x1024xf32, #tpu.memory_space<vmem>>
    %dma_wait3A_204 = arith.constant 0 : i32
    %dma_wait3A_205 = tpu.memref_slice %arg5[%dma_wait3A_198, %dma_wait3A_204] : memref<16x8xi32, #tpu.memory_space<vmem>> -> memref<1x8xi32, #tpu.memory_space<vmem>>
    %dma_wait3A_206 = tpu.memref_squeeze %dma_wait3A_205 : memref<1x8xi32, #tpu.memory_space<vmem>> -> memref<8xi32, #tpu.memory_space<vmem>>
    %dma_wait3A_207 = arith.constant 0 : i32
    %dma_wait3A_208 = arith.constant 0 : i32
    %dma_wait3A_209 = tpu.memref_slice %arg2[%select_n3A_11, %dma_wait3A_207, %dma_wait3A_208] : memref<16x64x1024xf32, #tpu.memory_space<hbm>> -> memref<1x64x1024xf32, #tpu.memory_space<hbm>>
    %dma_wait3A_210 = tpu.memref_squeeze %dma_wait3A_209 : memref<1x64x1024xf32, #tpu.memory_space<hbm>> -> memref<64x1024xf32, #tpu.memory_space<hbm>>
    %dma_wait3A_211 = arith.constant 0 : i32
    %dma_wait3A_212 = arith.constant 0 : i32
    %dma_wait3A_213 = tpu.memref_slice %dma_wait3A_210[%dma_wait3A_211, %dma_wait3A_212] : memref<64x1024xf32, #tpu.memory_space<hbm>> -> memref<64x1024xf32, #tpu.memory_space<hbm>>
    tpu.wait_indirect_dma semaphore(%arg7 : memref<!tpu.dma_semaphore, #tpu.memory_space<semaphore_mem>>) src(%dma_wait3A_213 : memref<64x1024xf32, #tpu.memory_space<hbm>>) dst(%dma_wait3A_203 : memref<8x1024xf32, #tpu.memory_space<vmem>>)
    %add3A_214 = arith.constant 24 : i32
    %add3A_215 = arith.addi %mul3A_2, %add3A_214 : i32
    %dma_start3A_216 = arith.constant 3 : i32
    %dma_start3A_217 = arith.constant 0 : i32
    %dma_start3A_218 = arith.constant 0 : i32
    %dma_start3A_219 = tpu.memref_slice %arg6[%dma_start3A_216, %dma_start3A_217, %dma_start3A_218] : memref<4x8x1024xf32, #tpu.memory_space<vmem>> -> memref<1x8x1024xf32, #tpu.memory_space<vmem>>
    %dma_start3A_220 = tpu.memref_squeeze %dma_start3A_219 : memref<1x8x1024xf32, #tpu.memory_space<vmem>> -> memref<8x1024xf32, #tpu.memory_space<vmem>>
    %dma_start3A_221 = arith.constant 0 : i32
    %dma_start3A_222 = tpu.memref_slice %arg4[%add3A_215, %dma_start3A_221] : memref<16384x1024xf32, #tpu.memory_space<hbm>> -> memref<8x1024xf32, #tpu.memory_space<hbm>>
    %dma_start3A_223 = arith.constant 0 : i32
    %dma_start3A_224 = tpu.memref_slice %arg4[%add3A_215, %dma_start3A_223] : memref<16384x1024xf32, #tpu.memory_space<hbm>> -> memref<8x1024xf32, #tpu.memory_space<hbm>>
    %dma_start3A_225 = arith.constant 0 : i32
    %dma_start3A_226 = arith.constant 0 : i32
    %dma_start3A_227 = tpu.memref_slice %arg6[%dma_start3A_216, %dma_start3A_225, %dma_start3A_226] : memref<4x8x1024xf32, #tpu.memory_space<vmem>> -> memref<1x8x1024xf32, #tpu.memory_space<vmem>>
    %dma_start3A_228 = tpu.memref_squeeze %dma_start3A_227 : memref<1x8x1024xf32, #tpu.memory_space<vmem>> -> memref<8x1024xf32, #tpu.memory_space<vmem>>
    tpu.enqueue_dma source(%dma_start3A_228 : memref<8x1024xf32, #tpu.memory_space<vmem>>) target(%dma_start3A_224 : memref<8x1024xf32, #tpu.memory_space<hbm>>) target_semaphore(%arg8 : memref<!tpu.dma_semaphore, #tpu.memory_space<semaphore_mem>>)
    %dma_wait3A_229 = arith.constant 1 : i32
    %dma_wait3A_230 = arith.constant 0 : i32
    %dma_wait3A_231 = arith.constant 0 : i32
    %dma_wait3A_232 = tpu.memref_slice %arg6[%dma_wait3A_229, %dma_wait3A_230, %dma_wait3A_231] : memref<4x8x1024xf32, #tpu.memory_space<vmem>> -> memref<1x8x1024xf32, #tpu.memory_space<vmem>>
    %dma_wait3A_233 = tpu.memref_squeeze %dma_wait3A_232 : memref<1x8x1024xf32, #tpu.memory_space<vmem>> -> memref<8x1024xf32, #tpu.memory_space<vmem>>
    %dma_wait3A_234 = arith.constant 0 : i32
    %dma_wait3A_235 = tpu.memref_slice %arg4[%add3A_108, %dma_wait3A_234] : memref<16384x1024xf32, #tpu.memory_space<hbm>> -> memref<8x1024xf32, #tpu.memory_space<hbm>>
    %dma_wait3A_236 = arith.constant 0 : i32
    %dma_wait3A_237 = tpu.memref_slice %arg4[%add3A_108, %dma_wait3A_236] : memref<16384x1024xf32, #tpu.memory_space<hbm>> -> memref<8x1024xf32, #tpu.memory_space<hbm>>
    %dma_wait3A_238 = arith.constant 0 : i32
    %dma_wait3A_239 = arith.constant 0 : i32
    %dma_wait3A_240 = tpu.memref_slice %arg6[%dma_wait3A_229, %dma_wait3A_238, %dma_wait3A_239] : memref<4x8x1024xf32, #tpu.memory_space<vmem>> -> memref<1x8x1024xf32, #tpu.memory_space<vmem>>
    %dma_wait3A_241 = tpu.memref_squeeze %dma_wait3A_240 : memref<1x8x1024xf32, #tpu.memory_space<vmem>> -> memref<8x1024xf32, #tpu.memory_space<vmem>>
    tpu.wait_dma2 semaphore(%arg8 : memref<!tpu.dma_semaphore, #tpu.memory_space<semaphore_mem>>) src(%dma_wait3A_241 : memref<8x1024xf32, #tpu.memory_space<vmem>>) dst(%dma_wait3A_237 : memref<8x1024xf32, #tpu.memory_space<hbm>>)
    %dma_start3A_242 = arith.constant 5 : i32
    %dma_start3A_243 = arith.constant 1 : i32
    %dma_start3A_244 = arith.constant 0 : i32
    %dma_start3A_245 = arith.constant 0 : i32
    %dma_start3A_246 = tpu.memref_slice %arg6[%dma_start3A_243, %dma_start3A_244, %dma_start3A_245] : memref<4x8x1024xf32, #tpu.memory_space<vmem>> -> memref<1x8x1024xf32, #tpu.memory_space<vmem>>
    %dma_start3A_247 = tpu.memref_squeeze %dma_start3A_246 : memref<1x8x1024xf32, #tpu.memory_space<vmem>> -> memref<8x1024xf32, #tpu.memory_space<vmem>>
    %dma_start3A_248 = arith.constant 0 : i32
    %dma_start3A_249 = tpu.memref_slice %arg5[%dma_start3A_242, %dma_start3A_248] : memref<16x8xi32, #tpu.memory_space<vmem>> -> memref<1x8xi32, #tpu.memory_space<vmem>>
    %dma_start3A_250 = tpu.memref_squeeze %dma_start3A_249 : memref<1x8xi32, #tpu.memory_space<vmem>> -> memref<8xi32, #tpu.memory_space<vmem>>
    %dma_start3A_251 = arith.constant 0 : i32
    %dma_start3A_252 = arith.constant 0 : i32
    %dma_start3A_253 = tpu.memref_slice %arg2[%select_n3A_11, %dma_start3A_251, %dma_start3A_252] : memref<16x64x1024xf32, #tpu.memory_space<hbm>> -> memref<1x64x1024xf32, #tpu.memory_space<hbm>>
    %dma_start3A_254 = tpu.memref_squeeze %dma_start3A_253 : memref<1x64x1024xf32, #tpu.memory_space<hbm>> -> memref<64x1024xf32, #tpu.memory_space<hbm>>
    %dma_start3A_255 = arith.constant 0 : i32
    %dma_start3A_256 = arith.constant 0 : i32
    %dma_start3A_257 = tpu.memref_slice %dma_start3A_254[%dma_start3A_255, %dma_start3A_256] : memref<64x1024xf32, #tpu.memory_space<hbm>> -> memref<64x1024xf32, #tpu.memory_space<hbm>>
    tpu.enqueue_indirect_dma source(%dma_start3A_257 : memref<64x1024xf32, #tpu.memory_space<hbm>>) target(%dma_start3A_247 : memref<8x1024xf32, #tpu.memory_space<vmem>>) offsets(%dma_start3A_250 : memref<8xi32, #tpu.memory_space<vmem>>) semaphore(%arg7 : memref<!tpu.dma_semaphore, #tpu.memory_space<semaphore_mem>>)
    %dma_wait3A_258 = arith.constant 4 : i32
    %dma_wait3A_259 = arith.constant 0 : i32
    %dma_wait3A_260 = arith.constant 0 : i32
    %dma_wait3A_261 = arith.constant 0 : i32
    %dma_wait3A_262 = tpu.memref_slice %arg6[%dma_wait3A_259, %dma_wait3A_260, %dma_wait3A_261] : memref<4x8x1024xf32, #tpu.memory_space<vmem>> -> memref<1x8x1024xf32, #tpu.memory_space<vmem>>
    %dma_wait3A_263 = tpu.memref_squeeze %dma_wait3A_262 : memref<1x8x1024xf32, #tpu.memory_space<vmem>> -> memref<8x1024xf32, #tpu.memory_space<vmem>>
    %dma_wait3A_264 = arith.constant 0 : i32
    %dma_wait3A_265 = tpu.memref_slice %arg5[%dma_wait3A_258, %dma_wait3A_264] : memref<16x8xi32, #tpu.memory_space<vmem>> -> memref<1x8xi32, #tpu.memory_space<vmem>>
    %dma_wait3A_266 = tpu.memref_squeeze %dma_wait3A_265 : memref<1x8xi32, #tpu.memory_space<vmem>> -> memref<8xi32, #tpu.memory_space<vmem>>
    %dma_wait3A_267 = arith.constant 0 : i32
    %dma_wait3A_268 = arith.constant 0 : i32
    %dma_wait3A_269 = tpu.memref_slice %arg2[%select_n3A_11, %dma_wait3A_267, %dma_wait3A_268] : memref<16x64x1024xf32, #tpu.memory_space<hbm>> -> memref<1x64x1024xf32, #tpu.memory_space<hbm>>
    %dma_wait3A_270 = tpu.memref_squeeze %dma_wait3A_269 : memref<1x64x1024xf32, #tpu.memory_space<hbm>> -> memref<64x1024xf32, #tpu.memory_space<hbm>>
    %dma_wait3A_271 = arith.constant 0 : i32
    %dma_wait3A_272 = arith.constant 0 : i32
    %dma_wait3A_273 = tpu.memref_slice %dma_wait3A_270[%dma_wait3A_271, %dma_wait3A_272] : memref<64x1024xf32, #tpu.memory_space<hbm>> -> memref<64x1024xf32, #tpu.memory_space<hbm>>
    tpu.wait_indirect_dma semaphore(%arg7 : memref<!tpu.dma_semaphore, #tpu.memory_space<semaphore_mem>>) src(%dma_wait3A_273 : memref<64x1024xf32, #tpu.memory_space<hbm>>) dst(%dma_wait3A_263 : memref<8x1024xf32, #tpu.memory_space<vmem>>)
    %add3A_274 = arith.constant 32 : i32
    %add3A_275 = arith.addi %mul3A_2, %add3A_274 : i32
    %dma_start3A_276 = arith.constant 0 : i32
    %dma_start3A_277 = arith.constant 0 : i32
    %dma_start3A_278 = arith.constant 0 : i32
    %dma_start3A_279 = tpu.memref_slice %arg6[%dma_start3A_276, %dma_start3A_277, %dma_start3A_278] : memref<4x8x1024xf32, #tpu.memory_space<vmem>> -> memref<1x8x1024xf32, #tpu.memory_space<vmem>>
    %dma_start3A_280 = tpu.memref_squeeze %dma_start3A_279 : memref<1x8x1024xf32, #tpu.memory_space<vmem>> -> memref<8x1024xf32, #tpu.memory_space<vmem>>
    %dma_start3A_281 = arith.constant 0 : i32
    %dma_start3A_282 = tpu.memref_slice %arg4[%add3A_275, %dma_start3A_281] : memref<16384x1024xf32, #tpu.memory_space<hbm>> -> memref<8x1024xf32, #tpu.memory_space<hbm>>
    %dma_start3A_283 = arith.constant 0 : i32
    %dma_start3A_284 = tpu.memref_slice %arg4[%add3A_275, %dma_start3A_283] : memref<16384x1024xf32, #tpu.memory_space<hbm>> -> memref<8x1024xf32, #tpu.memory_space<hbm>>
    %dma_start3A_285 = arith.constant 0 : i32
    %dma_start3A_286 = arith.constant 0 : i32
    %dma_start3A_287 = tpu.memref_slice %arg6[%dma_start3A_276, %dma_start3A_285, %dma_start3A_286] : memref<4x8x1024xf32, #tpu.memory_space<vmem>> -> memref<1x8x1024xf32, #tpu.memory_space<vmem>>
    %dma_start3A_288 = tpu.memref_squeeze %dma_start3A_287 : memref<1x8x1024xf32, #tpu.memory_space<vmem>> -> memref<8x1024xf32, #tpu.memory_space<vmem>>
    tpu.enqueue_dma source(%dma_start3A_288 : memref<8x1024xf32, #tpu.memory_space<vmem>>) target(%dma_start3A_284 : memref<8x1024xf32, #tpu.memory_space<hbm>>) target_semaphore(%arg8 : memref<!tpu.dma_semaphore, #tpu.memory_space<semaphore_mem>>)
    %dma_wait3A_289 = arith.constant 2 : i32
    %dma_wait3A_290 = arith.constant 0 : i32
    %dma_wait3A_291 = arith.constant 0 : i32
    %dma_wait3A_292 = tpu.memref_slice %arg6[%dma_wait3A_289, %dma_wait3A_290, %dma_wait3A_291] : memref<4x8x1024xf32, #tpu.memory_space<vmem>> -> memref<1x8x1024xf32, #tpu.memory_space<vmem>>
    %dma_wait3A_293 = tpu.memref_squeeze %dma_wait3A_292 : memref<1x8x1024xf32, #tpu.memory_space<vmem>> -> memref<8x1024xf32, #tpu.memory_space<vmem>>
    %dma_wait3A_294 = arith.constant 0 : i32
    %dma_wait3A_295 = tpu.memref_slice %arg4[%add3A_155, %dma_wait3A_294] : memref<16384x1024xf32, #tpu.memory_space<hbm>> -> memref<8x1024xf32, #tpu.memory_space<hbm>>
    %dma_wait3A_296 = arith.constant 0 : i32
    %dma_wait3A_297 = tpu.memref_slice %arg4[%add3A_155, %dma_wait3A_296] : memref<16384x1024xf32, #tpu.memory_space<hbm>> -> memref<8x1024xf32, #tpu.memory_space<hbm>>
    %dma_wait3A_298 = arith.constant 0 : i32
    %dma_wait3A_299 = arith.constant 0 : i32
    %dma_wait3A_300 = tpu.memref_slice %arg6[%dma_wait3A_289, %dma_wait3A_298, %dma_wait3A_299] : memref<4x8x1024xf32, #tpu.memory_space<vmem>> -> memref<1x8x1024xf32, #tpu.memory_space<vmem>>
    %dma_wait3A_301 = tpu.memref_squeeze %dma_wait3A_300 : memref<1x8x1024xf32, #tpu.memory_space<vmem>> -> memref<8x1024xf32, #tpu.memory_space<vmem>>
    tpu.wait_dma2 semaphore(%arg8 : memref<!tpu.dma_semaphore, #tpu.memory_space<semaphore_mem>>) src(%dma_wait3A_301 : memref<8x1024xf32, #tpu.memory_space<vmem>>) dst(%dma_wait3A_297 : memref<8x1024xf32, #tpu.memory_space<hbm>>)
    %dma_start3A_302 = arith.constant 6 : i32
    %dma_start3A_303 = arith.constant 2 : i32
    %dma_start3A_304 = arith.constant 0 : i32
    %dma_start3A_305 = arith.constant 0 : i32
    %dma_start3A_306 = tpu.memref_slice %arg6[%dma_start3A_303, %dma_start3A_304, %dma_start3A_305] : memref<4x8x1024xf32, #tpu.memory_space<vmem>> -> memref<1x8x1024xf32, #tpu.memory_space<vmem>>
    %dma_start3A_307 = tpu.memref_squeeze %dma_start3A_306 : memref<1x8x1024xf32, #tpu.memory_space<vmem>> -> memref<8x1024xf32, #tpu.memory_space<vmem>>
    %dma_start3A_308 = arith.constant 0 : i32
    %dma_start3A_309 = tpu.memref_slice %arg5[%dma_start3A_302, %dma_start3A_308] : memref<16x8xi32, #tpu.memory_space<vmem>> -> memref<1x8xi32, #tpu.memory_space<vmem>>
    %dma_start3A_310 = tpu.memref_squeeze %dma_start3A_309 : memref<1x8xi32, #tpu.memory_space<vmem>> -> memref<8xi32, #tpu.memory_space<vmem>>
    %dma_start3A_311 = arith.constant 0 : i32
    %dma_start3A_312 = arith.constant 0 : i32
    %dma_start3A_313 = tpu.memref_slice %arg2[%select_n3A_11, %dma_start3A_311, %dma_start3A_312] : memref<16x64x1024xf32, #tpu.memory_space<hbm>> -> memref<1x64x1024xf32, #tpu.memory_space<hbm>>
    %dma_start3A_314 = tpu.memref_squeeze %dma_start3A_313 : memref<1x64x1024xf32, #tpu.memory_space<hbm>> -> memref<64x1024xf32, #tpu.memory_space<hbm>>
    %dma_start3A_315 = arith.constant 0 : i32
    %dma_start3A_316 = arith.constant 0 : i32
    %dma_start3A_317 = tpu.memref_slice %dma_start3A_314[%dma_start3A_315, %dma_start3A_316] : memref<64x1024xf32, #tpu.memory_space<hbm>> -> memref<64x1024xf32, #tpu.memory_space<hbm>>
    tpu.enqueue_indirect_dma source(%dma_start3A_317 : memref<64x1024xf32, #tpu.memory_space<hbm>>) target(%dma_start3A_307 : memref<8x1024xf32, #tpu.memory_space<vmem>>) offsets(%dma_start3A_310 : memref<8xi32, #tpu.memory_space<vmem>>) semaphore(%arg7 : memref<!tpu.dma_semaphore, #tpu.memory_space<semaphore_mem>>)
    %dma_wait3A_318 = arith.constant 5 : i32
    %dma_wait3A_319 = arith.constant 1 : i32
    %dma_wait3A_320 = arith.constant 0 : i32
    %dma_wait3A_321 = arith.constant 0 : i32
    %dma_wait3A_322 = tpu.memref_slice %arg6[%dma_wait3A_319, %dma_wait3A_320, %dma_wait3A_321] : memref<4x8x1024xf32, #tpu.memory_space<vmem>> -> memref<1x8x1024xf32, #tpu.memory_space<vmem>>
    %dma_wait3A_323 = tpu.memref_squeeze %dma_wait3A_322 : memref<1x8x1024xf32, #tpu.memory_space<vmem>> -> memref<8x1024xf32, #tpu.memory_space<vmem>>
    %dma_wait3A_324 = arith.constant 0 : i32
    %dma_wait3A_325 = tpu.memref_slice %arg5[%dma_wait3A_318, %dma_wait3A_324] : memref<16x8xi32, #tpu.memory_space<vmem>> -> memref<1x8xi32, #tpu.memory_space<vmem>>
    %dma_wait3A_326 = tpu.memref_squeeze %dma_wait3A_325 : memref<1x8xi32, #tpu.memory_space<vmem>> -> memref<8xi32, #tpu.memory_space<vmem>>
    %dma_wait3A_327 = arith.constant 0 : i32
    %dma_wait3A_328 = arith.constant 0 : i32
    %dma_wait3A_329 = tpu.memref_slice %arg2[%select_n3A_11, %dma_wait3A_327, %dma_wait3A_328] : memref<16x64x1024xf32, #tpu.memory_space<hbm>> -> memref<1x64x1024xf32, #tpu.memory_space<hbm>>
    %dma_wait3A_330 = tpu.memref_squeeze %dma_wait3A_329 : memref<1x64x1024xf32, #tpu.memory_space<hbm>> -> memref<64x1024xf32, #tpu.memory_space<hbm>>
    %dma_wait3A_331 = arith.constant 0 : i32
    %dma_wait3A_332 = arith.constant 0 : i32
    %dma_wait3A_333 = tpu.memref_slice %dma_wait3A_330[%dma_wait3A_331, %dma_wait3A_332] : memref<64x1024xf32, #tpu.memory_space<hbm>> -> memref<64x1024xf32, #tpu.memory_space<hbm>>
    tpu.wait_indirect_dma semaphore(%arg7 : memref<!tpu.dma_semaphore, #tpu.memory_space<semaphore_mem>>) src(%dma_wait3A_333 : memref<64x1024xf32, #tpu.memory_space<hbm>>) dst(%dma_wait3A_323 : memref<8x1024xf32, #tpu.memory_space<vmem>>)
    %add3A_334 = arith.constant 40 : i32
    %add3A_335 = arith.addi %mul3A_2, %add3A_334 : i32
    %dma_start3A_336 = arith.constant 1 : i32
    %dma_start3A_337 = arith.constant 0 : i32
    %dma_start3A_338 = arith.constant 0 : i32
    %dma_start3A_339 = tpu.memref_slice %arg6[%dma_start3A_336, %dma_start3A_337, %dma_start3A_338] : memref<4x8x1024xf32, #tpu.memory_space<vmem>> -> memref<1x8x1024xf32, #tpu.memory_space<vmem>>
    %dma_start3A_340 = tpu.memref_squeeze %dma_start3A_339 : memref<1x8x1024xf32, #tpu.memory_space<vmem>> -> memref<8x1024xf32, #tpu.memory_space<vmem>>
    %dma_start3A_341 = arith.constant 0 : i32
    %dma_start3A_342 = tpu.memref_slice %arg4[%add3A_335, %dma_start3A_341] : memref<16384x1024xf32, #tpu.memory_space<hbm>> -> memref<8x1024xf32, #tpu.memory_space<hbm>>
    %dma_start3A_343 = arith.constant 0 : i32
    %dma_start3A_344 = tpu.memref_slice %arg4[%add3A_335, %dma_start3A_343] : memref<16384x1024xf32, #tpu.memory_space<hbm>> -> memref<8x1024xf32, #tpu.memory_space<hbm>>
    %dma_start3A_345 = arith.constant 0 : i32
    %dma_start3A_346 = arith.constant 0 : i32
    %dma_start3A_347 = tpu.memref_slice %arg6[%dma_start3A_336, %dma_start3A_345, %dma_start3A_346] : memref<4x8x1024xf32, #tpu.memory_space<vmem>> -> memref<1x8x1024xf32, #tpu.memory_space<vmem>>
    %dma_start3A_348 = tpu.memref_squeeze %dma_start3A_347 : memref<1x8x1024xf32, #tpu.memory_space<vmem>> -> memref<8x1024xf32, #tpu.memory_space<vmem>>
    tpu.enqueue_dma source(%dma_start3A_348 : memref<8x1024xf32, #tpu.memory_space<vmem>>) target(%dma_start3A_344 : memref<8x1024xf32, #tpu.memory_space<hbm>>) target_semaphore(%arg8 : memref<!tpu.dma_semaphore, #tpu.memory_space<semaphore_mem>>)
    %dma_wait3A_349 = arith.constant 3 : i32
    %dma_wait3A_350 = arith.constant 0 : i32
    %dma_wait3A_351 = arith.constant 0 : i32
    %dma_wait3A_352 = tpu.memref_slice %arg6[%dma_wait3A_349, %dma_wait3A_350, %dma_wait3A_351] : memref<4x8x1024xf32, #tpu.memory_space<vmem>> -> memref<1x8x1024xf32, #tpu.memory_space<vmem>>
    %dma_wait3A_353 = tpu.memref_squeeze %dma_wait3A_352 : memref<1x8x1024xf32, #tpu.memory_space<vmem>> -> memref<8x1024xf32, #tpu.memory_space<vmem>>
    %dma_wait3A_354 = arith.constant 0 : i32
    %dma_wait3A_355 = tpu.memref_slice %arg4[%add3A_215, %dma_wait3A_354] : memref<16384x1024xf32, #tpu.memory_space<hbm>> -> memref<8x1024xf32, #tpu.memory_space<hbm>>
    %dma_wait3A_356 = arith.constant 0 : i32
    %dma_wait3A_357 = tpu.memref_slice %arg4[%add3A_215, %dma_wait3A_356] : memref<16384x1024xf32, #tpu.memory_space<hbm>> -> memref<8x1024xf32, #tpu.memory_space<hbm>>
    %dma_wait3A_358 = arith.constant 0 : i32
    %dma_wait3A_359 = arith.constant 0 : i32
    %dma_wait3A_360 = tpu.memref_slice %arg6[%dma_wait3A_349, %dma_wait3A_358, %dma_wait3A_359] : memref<4x8x1024xf32, #tpu.memory_space<vmem>> -> memref<1x8x1024xf32, #tpu.memory_space<vmem>>
    %dma_wait3A_361 = tpu.memref_squeeze %dma_wait3A_360 : memref<1x8x1024xf32, #tpu.memory_space<vmem>> -> memref<8x1024xf32, #tpu.memory_space<vmem>>
    tpu.wait_dma2 semaphore(%arg8 : memref<!tpu.dma_semaphore, #tpu.memory_space<semaphore_mem>>) src(%dma_wait3A_361 : memref<8x1024xf32, #tpu.memory_space<vmem>>) dst(%dma_wait3A_357 : memref<8x1024xf32, #tpu.memory_space<hbm>>)
    %dma_start3A_362 = arith.constant 7 : i32
    %dma_start3A_363 = arith.constant 3 : i32
    %dma_start3A_364 = arith.constant 0 : i32
    %dma_start3A_365 = arith.constant 0 : i32
    %dma_start3A_366 = tpu.memref_slice %arg6[%dma_start3A_363, %dma_start3A_364, %dma_start3A_365] : memref<4x8x1024xf32, #tpu.memory_space<vmem>> -> memref<1x8x1024xf32, #tpu.memory_space<vmem>>
    %dma_start3A_367 = tpu.memref_squeeze %dma_start3A_366 : memref<1x8x1024xf32, #tpu.memory_space<vmem>> -> memref<8x1024xf32, #tpu.memory_space<vmem>>
    %dma_start3A_368 = arith.constant 0 : i32
    %dma_start3A_369 = tpu.memref_slice %arg5[%dma_start3A_362, %dma_start3A_368] : memref<16x8xi32, #tpu.memory_space<vmem>> -> memref<1x8xi32, #tpu.memory_space<vmem>>
    %dma_start3A_370 = tpu.memref_squeeze %dma_start3A_369 : memref<1x8xi32, #tpu.memory_space<vmem>> -> memref<8xi32, #tpu.memory_space<vmem>>
    %dma_start3A_371 = arith.constant 0 : i32
    %dma_start3A_372 = arith.constant 0 : i32
    %dma_start3A_373 = tpu.memref_slice %arg2[%select_n3A_11, %dma_start3A_371, %dma_start3A_372] : memref<16x64x1024xf32, #tpu.memory_space<hbm>> -> memref<1x64x1024xf32, #tpu.memory_space<hbm>>
    %dma_start3A_374 = tpu.memref_squeeze %dma_start3A_373 : memref<1x64x1024xf32, #tpu.memory_space<hbm>> -> memref<64x1024xf32, #tpu.memory_space<hbm>>
    %dma_start3A_375 = arith.constant 0 : i32
    %dma_start3A_376 = arith.constant 0 : i32
    %dma_start3A_377 = tpu.memref_slice %dma_start3A_374[%dma_start3A_375, %dma_start3A_376] : memref<64x1024xf32, #tpu.memory_space<hbm>> -> memref<64x1024xf32, #tpu.memory_space<hbm>>
    tpu.enqueue_indirect_dma source(%dma_start3A_377 : memref<64x1024xf32, #tpu.memory_space<hbm>>) target(%dma_start3A_367 : memref<8x1024xf32, #tpu.memory_space<vmem>>) offsets(%dma_start3A_370 : memref<8xi32, #tpu.memory_space<vmem>>) semaphore(%arg7 : memref<!tpu.dma_semaphore, #tpu.memory_space<semaphore_mem>>)
    %dma_wait3A_378 = arith.constant 6 : i32
    %dma_wait3A_379 = arith.constant 2 : i32
    %dma_wait3A_380 = arith.constant 0 : i32
    %dma_wait3A_381 = arith.constant 0 : i32
    %dma_wait3A_382 = tpu.memref_slice %arg6[%dma_wait3A_379, %dma_wait3A_380, %dma_wait3A_381] : memref<4x8x1024xf32, #tpu.memory_space<vmem>> -> memref<1x8x1024xf32, #tpu.memory_space<vmem>>
    %dma_wait3A_383 = tpu.memref_squeeze %dma_wait3A_382 : memref<1x8x1024xf32, #tpu.memory_space<vmem>> -> memref<8x1024xf32, #tpu.memory_space<vmem>>
    %dma_wait3A_384 = arith.constant 0 : i32
    %dma_wait3A_385 = tpu.memref_slice %arg5[%dma_wait3A_378, %dma_wait3A_384] : memref<16x8xi32, #tpu.memory_space<vmem>> -> memref<1x8xi32, #tpu.memory_space<vmem>>
    %dma_wait3A_386 = tpu.memref_squeeze %dma_wait3A_385 : memref<1x8xi32, #tpu.memory_space<vmem>> -> memref<8xi32, #tpu.memory_space<vmem>>
    %dma_wait3A_387 = arith.constant 0 : i32
    %dma_wait3A_388 = arith.constant 0 : i32
    %dma_wait3A_389 = tpu.memref_slice %arg2[%select_n3A_11, %dma_wait3A_387, %dma_wait3A_388] : memref<16x64x1024xf32, #tpu.memory_space<hbm>> -> memref<1x64x1024xf32, #tpu.memory_space<hbm>>
    %dma_wait3A_390 = tpu.memref_squeeze %dma_wait3A_389 : memref<1x64x1024xf32, #tpu.memory_space<hbm>> -> memref<64x1024xf32, #tpu.memory_space<hbm>>
    %dma_wait3A_391 = arith.constant 0 : i32
    %dma_wait3A_392 = arith.constant 0 : i32
    %dma_wait3A_393 = tpu.memref_slice %dma_wait3A_390[%dma_wait3A_391, %dma_wait3A_392] : memref<64x1024xf32, #tpu.memory_space<hbm>> -> memref<64x1024xf32, #tpu.memory_space<hbm>>
    tpu.wait_indirect_dma semaphore(%arg7 : memref<!tpu.dma_semaphore, #tpu.memory_space<semaphore_mem>>) src(%dma_wait3A_393 : memref<64x1024xf32, #tpu.memory_space<hbm>>) dst(%dma_wait3A_383 : memref<8x1024xf32, #tpu.memory_space<vmem>>)
    %add3A_394 = arith.constant 48 : i32
    %add3A_395 = arith.addi %mul3A_2, %add3A_394 : i32
    %dma_start3A_396 = arith.constant 2 : i32
    %dma_start3A_397 = arith.constant 0 : i32
    %dma_start3A_398 = arith.constant 0 : i32
    %dma_start3A_399 = tpu.memref_slice %arg6[%dma_start3A_396, %dma_start3A_397, %dma_start3A_398] : memref<4x8x1024xf32, #tpu.memory_space<vmem>> -> memref<1x8x1024xf32, #tpu.memory_space<vmem>>
    %dma_start3A_400 = tpu.memref_squeeze %dma_start3A_399 : memref<1x8x1024xf32, #tpu.memory_space<vmem>> -> memref<8x1024xf32, #tpu.memory_space<vmem>>
    %dma_start3A_401 = arith.constant 0 : i32
    %dma_start3A_402 = tpu.memref_slice %arg4[%add3A_395, %dma_start3A_401] : memref<16384x1024xf32, #tpu.memory_space<hbm>> -> memref<8x1024xf32, #tpu.memory_space<hbm>>
    %dma_start3A_403 = arith.constant 0 : i32
    %dma_start3A_404 = tpu.memref_slice %arg4[%add3A_395, %dma_start3A_403] : memref<16384x1024xf32, #tpu.memory_space<hbm>> -> memref<8x1024xf32, #tpu.memory_space<hbm>>
    %dma_start3A_405 = arith.constant 0 : i32
    %dma_start3A_406 = arith.constant 0 : i32
    %dma_start3A_407 = tpu.memref_slice %arg6[%dma_start3A_396, %dma_start3A_405, %dma_start3A_406] : memref<4x8x1024xf32, #tpu.memory_space<vmem>> -> memref<1x8x1024xf32, #tpu.memory_space<vmem>>
    %dma_start3A_408 = tpu.memref_squeeze %dma_start3A_407 : memref<1x8x1024xf32, #tpu.memory_space<vmem>> -> memref<8x1024xf32, #tpu.memory_space<vmem>>
    tpu.enqueue_dma source(%dma_start3A_408 : memref<8x1024xf32, #tpu.memory_space<vmem>>) target(%dma_start3A_404 : memref<8x1024xf32, #tpu.memory_space<hbm>>) target_semaphore(%arg8 : memref<!tpu.dma_semaphore, #tpu.memory_space<semaphore_mem>>)
    %dma_wait3A_409 = arith.constant 0 : i32
    %dma_wait3A_410 = arith.constant 0 : i32
    %dma_wait3A_411 = arith.constant 0 : i32
    %dma_wait3A_412 = tpu.memref_slice %arg6[%dma_wait3A_409, %dma_wait3A_410, %dma_wait3A_411] : memref<4x8x1024xf32, #tpu.memory_space<vmem>> -> memref<1x8x1024xf32, #tpu.memory_space<vmem>>
    %dma_wait3A_413 = tpu.memref_squeeze %dma_wait3A_412 : memref<1x8x1024xf32, #tpu.memory_space<vmem>> -> memref<8x1024xf32, #tpu.memory_space<vmem>>
    %dma_wait3A_414 = arith.constant 0 : i32
    %dma_wait3A_415 = tpu.memref_slice %arg4[%add3A_275, %dma_wait3A_414] : memref<16384x1024xf32, #tpu.memory_space<hbm>> -> memref<8x1024xf32, #tpu.memory_space<hbm>>
    %dma_wait3A_416 = arith.constant 0 : i32
    %dma_wait3A_417 = tpu.memref_slice %arg4[%add3A_275, %dma_wait3A_416] : memref<16384x1024xf32, #tpu.memory_space<hbm>> -> memref<8x1024xf32, #tpu.memory_space<hbm>>
    %dma_wait3A_418 = arith.constant 0 : i32
    %dma_wait3A_419 = arith.constant 0 : i32
    %dma_wait3A_420 = tpu.memref_slice %arg6[%dma_wait3A_409, %dma_wait3A_418, %dma_wait3A_419] : memref<4x8x1024xf32, #tpu.memory_space<vmem>> -> memref<1x8x1024xf32, #tpu.memory_space<vmem>>
    %dma_wait3A_421 = tpu.memref_squeeze %dma_wait3A_420 : memref<1x8x1024xf32, #tpu.memory_space<vmem>> -> memref<8x1024xf32, #tpu.memory_space<vmem>>
    tpu.wait_dma2 semaphore(%arg8 : memref<!tpu.dma_semaphore, #tpu.memory_space<semaphore_mem>>) src(%dma_wait3A_421 : memref<8x1024xf32, #tpu.memory_space<vmem>>) dst(%dma_wait3A_417 : memref<8x1024xf32, #tpu.memory_space<hbm>>)
    %dma_start3A_422 = arith.constant 8 : i32
    %dma_start3A_423 = arith.constant 0 : i32
    %dma_start3A_424 = arith.constant 0 : i32
    %dma_start3A_425 = arith.constant 0 : i32
    %dma_start3A_426 = tpu.memref_slice %arg6[%dma_start3A_423, %dma_start3A_424, %dma_start3A_425] : memref<4x8x1024xf32, #tpu.memory_space<vmem>> -> memref<1x8x1024xf32, #tpu.memory_space<vmem>>
    %dma_start3A_427 = tpu.memref_squeeze %dma_start3A_426 : memref<1x8x1024xf32, #tpu.memory_space<vmem>> -> memref<8x1024xf32, #tpu.memory_space<vmem>>
    %dma_start3A_428 = arith.constant 0 : i32
    %dma_start3A_429 = tpu.memref_slice %arg5[%dma_start3A_422, %dma_start3A_428] : memref<16x8xi32, #tpu.memory_space<vmem>> -> memref<1x8xi32, #tpu.memory_space<vmem>>
    %dma_start3A_430 = tpu.memref_squeeze %dma_start3A_429 : memref<1x8xi32, #tpu.memory_space<vmem>> -> memref<8xi32, #tpu.memory_space<vmem>>
    %dma_start3A_431 = arith.constant 0 : i32
    %dma_start3A_432 = arith.constant 0 : i32
    %dma_start3A_433 = tpu.memref_slice %arg2[%select_n3A_11, %dma_start3A_431, %dma_start3A_432] : memref<16x64x1024xf32, #tpu.memory_space<hbm>> -> memref<1x64x1024xf32, #tpu.memory_space<hbm>>
    %dma_start3A_434 = tpu.memref_squeeze %dma_start3A_433 : memref<1x64x1024xf32, #tpu.memory_space<hbm>> -> memref<64x1024xf32, #tpu.memory_space<hbm>>
    %dma_start3A_435 = arith.constant 0 : i32
    %dma_start3A_436 = arith.constant 0 : i32
    %dma_start3A_437 = tpu.memref_slice %dma_start3A_434[%dma_start3A_435, %dma_start3A_436] : memref<64x1024xf32, #tpu.memory_space<hbm>> -> memref<64x1024xf32, #tpu.memory_space<hbm>>
    tpu.enqueue_indirect_dma source(%dma_start3A_437 : memref<64x1024xf32, #tpu.memory_space<hbm>>) target(%dma_start3A_427 : memref<8x1024xf32, #tpu.memory_space<vmem>>) offsets(%dma_start3A_430 : memref<8xi32, #tpu.memory_space<vmem>>) semaphore(%arg7 : memref<!tpu.dma_semaphore, #tpu.memory_space<semaphore_mem>>)
    %dma_wait3A_438 = arith.constant 7 : i32
    %dma_wait3A_439 = arith.constant 3 : i32
    %dma_wait3A_440 = arith.constant 0 : i32
    %dma_wait3A_441 = arith.constant 0 : i32
    %dma_wait3A_442 = tpu.memref_slice %arg6[%dma_wait3A_439, %dma_wait3A_440, %dma_wait3A_441] : memref<4x8x1024xf32, #tpu.memory_space<vmem>> -> memref<1x8x1024xf32, #tpu.memory_space<vmem>>
    %dma_wait3A_443 = tpu.memref_squeeze %dma_wait3A_442 : memref<1x8x1024xf32, #tpu.memory_space<vmem>> -> memref<8x1024xf32, #tpu.memory_space<vmem>>
    %dma_wait3A_444 = arith.constant 0 : i32
    %dma_wait3A_445 = tpu.memref_slice %arg5[%dma_wait3A_438, %dma_wait3A_444] : memref<16x8xi32, #tpu.memory_space<vmem>> -> memref<1x8xi32, #tpu.memory_space<vmem>>
    %dma_wait3A_446 = tpu.memref_squeeze %dma_wait3A_445 : memref<1x8xi32, #tpu.memory_space<vmem>> -> memref<8xi32, #tpu.memory_space<vmem>>
    %dma_wait3A_447 = arith.constant 0 : i32
    %dma_wait3A_448 = arith.constant 0 : i32
    %dma_wait3A_449 = tpu.memref_slice %arg2[%select_n3A_11, %dma_wait3A_447, %dma_wait3A_448] : memref<16x64x1024xf32, #tpu.memory_space<hbm>> -> memref<1x64x1024xf32, #tpu.memory_space<hbm>>
    %dma_wait3A_450 = tpu.memref_squeeze %dma_wait3A_449 : memref<1x64x1024xf32, #tpu.memory_space<hbm>> -> memref<64x1024xf32, #tpu.memory_space<hbm>>
    %dma_wait3A_451 = arith.constant 0 : i32
    %dma_wait3A_452 = arith.constant 0 : i32
    %dma_wait3A_453 = tpu.memref_slice %dma_wait3A_450[%dma_wait3A_451, %dma_wait3A_452] : memref<64x1024xf32, #tpu.memory_space<hbm>> -> memref<64x1024xf32, #tpu.memory_space<hbm>>
    tpu.wait_indirect_dma semaphore(%arg7 : memref<!tpu.dma_semaphore, #tpu.memory_space<semaphore_mem>>) src(%dma_wait3A_453 : memref<64x1024xf32, #tpu.memory_space<hbm>>) dst(%dma_wait3A_443 : memref<8x1024xf32, #tpu.memory_space<vmem>>)
    %add3A_454 = arith.constant 56 : i32
    %add3A_455 = arith.addi %mul3A_2, %add3A_454 : i32
    %dma_start3A_456 = arith.constant 3 : i32
    %dma_start3A_457 = arith.constant 0 : i32
    %dma_start3A_458 = arith.constant 0 : i32
    %dma_start3A_459 = tpu.memref_slice %arg6[%dma_start3A_456, %dma_start3A_457, %dma_start3A_458] : memref<4x8x1024xf32, #tpu.memory_space<vmem>> -> memref<1x8x1024xf32, #tpu.memory_space<vmem>>
    %dma_start3A_460 = tpu.memref_squeeze %dma_start3A_459 : memref<1x8x1024xf32, #tpu.memory_space<vmem>> -> memref<8x1024xf32, #tpu.memory_space<vmem>>
    %dma_start3A_461 = arith.constant 0 : i32
    %dma_start3A_462 = tpu.memref_slice %arg4[%add3A_455, %dma_start3A_461] : memref<16384x1024xf32, #tpu.memory_space<hbm>> -> memref<8x1024xf32, #tpu.memory_space<hbm>>
    %dma_start3A_463 = arith.constant 0 : i32
    %dma_start3A_464 = tpu.memref_slice %arg4[%add3A_455, %dma_start3A_463] : memref<16384x1024xf32, #tpu.memory_space<hbm>> -> memref<8x1024xf32, #tpu.memory_space<hbm>>
    %dma_start3A_465 = arith.constant 0 : i32
    %dma_start3A_466 = arith.constant 0 : i32
    %dma_start3A_467 = tpu.memref_slice %arg6[%dma_start3A_456, %dma_start3A_465, %dma_start3A_466] : memref<4x8x1024xf32, #tpu.memory_space<vmem>> -> memref<1x8x1024xf32, #tpu.memory_space<vmem>>
    %dma_start3A_468 = tpu.memref_squeeze %dma_start3A_467 : memref<1x8x1024xf32, #tpu.memory_space<vmem>> -> memref<8x1024xf32, #tpu.memory_space<vmem>>
    tpu.enqueue_dma source(%dma_start3A_468 : memref<8x1024xf32, #tpu.memory_space<vmem>>) target(%dma_start3A_464 : memref<8x1024xf32, #tpu.memory_space<hbm>>) target_semaphore(%arg8 : memref<!tpu.dma_semaphore, #tpu.memory_space<semaphore_mem>>)
    %dma_wait3A_469 = arith.constant 1 : i32
    %dma_wait3A_470 = arith.constant 0 : i32
    %dma_wait3A_471 = arith.constant 0 : i32
    %dma_wait3A_472 = tpu.memref_slice %arg6[%dma_wait3A_469, %dma_wait3A_470, %dma_wait3A_471] : memref<4x8x1024xf32, #tpu.memory_space<vmem>> -> memref<1x8x1024xf32, #tpu.memory_space<vmem>>
    %dma_wait3A_473 = tpu.memref_squeeze %dma_wait3A_472 : memref<1x8x1024xf32, #tpu.memory_space<vmem>> -> memref<8x1024xf32, #tpu.memory_space<vmem>>
    %dma_wait3A_474 = arith.constant 0 : i32
    %dma_wait3A_475 = tpu.memref_slice %arg4[%add3A_335, %dma_wait3A_474] : memref<16384x1024xf32, #tpu.memory_space<hbm>> -> memref<8x1024xf32, #tpu.memory_space<hbm>>
    %dma_wait3A_476 = arith.constant 0 : i32
    %dma_wait3A_477 = tpu.memref_slice %arg4[%add3A_335, %dma_wait3A_476] : memref<16384x1024xf32, #tpu.memory_space<hbm>> -> memref<8x1024xf32, #tpu.memory_space<hbm>>
    %dma_wait3A_478 = arith.constant 0 : i32
    %dma_wait3A_479 = arith.constant 0 : i32
    %dma_wait3A_480 = tpu.memref_slice %arg6[%dma_wait3A_469, %dma_wait3A_478, %dma_wait3A_479] : memref<4x8x1024xf32, #tpu.memory_space<vmem>> -> memref<1x8x1024xf32, #tpu.memory_space<vmem>>
    %dma_wait3A_481 = tpu.memref_squeeze %dma_wait3A_480 : memref<1x8x1024xf32, #tpu.memory_space<vmem>> -> memref<8x1024xf32, #tpu.memory_space<vmem>>
    tpu.wait_dma2 semaphore(%arg8 : memref<!tpu.dma_semaphore, #tpu.memory_space<semaphore_mem>>) src(%dma_wait3A_481 : memref<8x1024xf32, #tpu.memory_space<vmem>>) dst(%dma_wait3A_477 : memref<8x1024xf32, #tpu.memory_space<hbm>>)
    %dma_start3A_482 = arith.constant 9 : i32
    %dma_start3A_483 = arith.constant 1 : i32
    %dma_start3A_484 = arith.constant 0 : i32
    %dma_start3A_485 = arith.constant 0 : i32
    %dma_start3A_486 = tpu.memref_slice %arg6[%dma_start3A_483, %dma_start3A_484, %dma_start3A_485] : memref<4x8x1024xf32, #tpu.memory_space<vmem>> -> memref<1x8x1024xf32, #tpu.memory_space<vmem>>
    %dma_start3A_487 = tpu.memref_squeeze %dma_start3A_486 : memref<1x8x1024xf32, #tpu.memory_space<vmem>> -> memref<8x1024xf32, #tpu.memory_space<vmem>>
    %dma_start3A_488 = arith.constant 0 : i32
    %dma_start3A_489 = tpu.memref_slice %arg5[%dma_start3A_482, %dma_start3A_488] : memref<16x8xi32, #tpu.memory_space<vmem>> -> memref<1x8xi32, #tpu.memory_space<vmem>>
    %dma_start3A_490 = tpu.memref_squeeze %dma_start3A_489 : memref<1x8xi32, #tpu.memory_space<vmem>> -> memref<8xi32, #tpu.memory_space<vmem>>
    %dma_start3A_491 = arith.constant 0 : i32
    %dma_start3A_492 = arith.constant 0 : i32
    %dma_start3A_493 = tpu.memref_slice %arg2[%select_n3A_11, %dma_start3A_491, %dma_start3A_492] : memref<16x64x1024xf32, #tpu.memory_space<hbm>> -> memref<1x64x1024xf32, #tpu.memory_space<hbm>>
    %dma_start3A_494 = tpu.memref_squeeze %dma_start3A_493 : memref<1x64x1024xf32, #tpu.memory_space<hbm>> -> memref<64x1024xf32, #tpu.memory_space<hbm>>
    %dma_start3A_495 = arith.constant 0 : i32
    %dma_start3A_496 = arith.constant 0 : i32
    %dma_start3A_497 = tpu.memref_slice %dma_start3A_494[%dma_start3A_495, %dma_start3A_496] : memref<64x1024xf32, #tpu.memory_space<hbm>> -> memref<64x1024xf32, #tpu.memory_space<hbm>>
    tpu.enqueue_indirect_dma source(%dma_start3A_497 : memref<64x1024xf32, #tpu.memory_space<hbm>>) target(%dma_start3A_487 : memref<8x1024xf32, #tpu.memory_space<vmem>>) offsets(%dma_start3A_490 : memref<8xi32, #tpu.memory_space<vmem>>) semaphore(%arg7 : memref<!tpu.dma_semaphore, #tpu.memory_space<semaphore_mem>>)
    %dma_wait3A_498 = arith.constant 8 : i32
    %dma_wait3A_499 = arith.constant 0 : i32
    %dma_wait3A_500 = arith.constant 0 : i32
    %dma_wait3A_501 = arith.constant 0 : i32
    %dma_wait3A_502 = tpu.memref_slice %arg6[%dma_wait3A_499, %dma_wait3A_500, %dma_wait3A_501] : memref<4x8x1024xf32, #tpu.memory_space<vmem>> -> memref<1x8x1024xf32, #tpu.memory_space<vmem>>
    %dma_wait3A_503 = tpu.memref_squeeze %dma_wait3A_502 : memref<1x8x1024xf32, #tpu.memory_space<vmem>> -> memref<8x1024xf32, #tpu.memory_space<vmem>>
    %dma_wait3A_504 = arith.constant 0 : i32
    %dma_wait3A_505 = tpu.memref_slice %arg5[%dma_wait3A_498, %dma_wait3A_504] : memref<16x8xi32, #tpu.memory_space<vmem>> -> memref<1x8xi32, #tpu.memory_space<vmem>>
    %dma_wait3A_506 = tpu.memref_squeeze %dma_wait3A_505 : memref<1x8xi32, #tpu.memory_space<vmem>> -> memref<8xi32, #tpu.memory_space<vmem>>
    %dma_wait3A_507 = arith.constant 0 : i32
    %dma_wait3A_508 = arith.constant 0 : i32
    %dma_wait3A_509 = tpu.memref_slice %arg2[%select_n3A_11, %dma_wait3A_507, %dma_wait3A_508] : memref<16x64x1024xf32, #tpu.memory_space<hbm>> -> memref<1x64x1024xf32, #tpu.memory_space<hbm>>
    %dma_wait3A_510 = tpu.memref_squeeze %dma_wait3A_509 : memref<1x64x1024xf32, #tpu.memory_space<hbm>> -> memref<64x1024xf32, #tpu.memory_space<hbm>>
    %dma_wait3A_511 = arith.constant 0 : i32
    %dma_wait3A_512 = arith.constant 0 : i32
    %dma_wait3A_513 = tpu.memref_slice %dma_wait3A_510[%dma_wait3A_511, %dma_wait3A_512] : memref<64x1024xf32, #tpu.memory_space<hbm>> -> memref<64x1024xf32, #tpu.memory_space<hbm>>
    tpu.wait_indirect_dma semaphore(%arg7 : memref<!tpu.dma_semaphore, #tpu.memory_space<semaphore_mem>>) src(%dma_wait3A_513 : memref<64x1024xf32, #tpu.memory_space<hbm>>) dst(%dma_wait3A_503 : memref<8x1024xf32, #tpu.memory_space<vmem>>)
    %add3A_514 = arith.constant 64 : i32
    %add3A_515 = arith.addi %mul3A_2, %add3A_514 : i32
    %dma_start3A_516 = arith.constant 0 : i32
    %dma_start3A_517 = arith.constant 0 : i32
    %dma_start3A_518 = arith.constant 0 : i32
    %dma_start3A_519 = tpu.memref_slice %arg6[%dma_start3A_516, %dma_start3A_517, %dma_start3A_518] : memref<4x8x1024xf32, #tpu.memory_space<vmem>> -> memref<1x8x1024xf32, #tpu.memory_space<vmem>>
    %dma_start3A_520 = tpu.memref_squeeze %dma_start3A_519 : memref<1x8x1024xf32, #tpu.memory_space<vmem>> -> memref<8x1024xf32, #tpu.memory_space<vmem>>
    %dma_start3A_521 = arith.constant 0 : i32
    %dma_start3A_522 = tpu.memref_slice %arg4[%add3A_515, %dma_start3A_521] : memref<16384x1024xf32, #tpu.memory_space<hbm>> -> memref<8x1024xf32, #tpu.memory_space<hbm>>
    %dma_start3A_523 = arith.constant 0 : i32
    %dma_start3A_524 = tpu.memref_slice %arg4[%add3A_515, %dma_start3A_523] : memref<16384x1024xf32, #tpu.memory_space<hbm>> -> memref<8x1024xf32, #tpu.memory_space<hbm>>
    %dma_start3A_525 = arith.constant 0 : i32
    %dma_start3A_526 = arith.constant 0 : i32
    %dma_start3A_527 = tpu.memref_slice %arg6[%dma_start3A_516, %dma_start3A_525, %dma_start3A_526] : memref<4x8x1024xf32, #tpu.memory_space<vmem>> -> memref<1x8x1024xf32, #tpu.memory_space<vmem>>
    %dma_start3A_528 = tpu.memref_squeeze %dma_start3A_527 : memref<1x8x1024xf32, #tpu.memory_space<vmem>> -> memref<8x1024xf32, #tpu.memory_space<vmem>>
    tpu.enqueue_dma source(%dma_start3A_528 : memref<8x1024xf32, #tpu.memory_space<vmem>>) target(%dma_start3A_524 : memref<8x1024xf32, #tpu.memory_space<hbm>>) target_semaphore(%arg8 : memref<!tpu.dma_semaphore, #tpu.memory_space<semaphore_mem>>)
    %dma_wait3A_529 = arith.constant 2 : i32
    %dma_wait3A_530 = arith.constant 0 : i32
    %dma_wait3A_531 = arith.constant 0 : i32
    %dma_wait3A_532 = tpu.memref_slice %arg6[%dma_wait3A_529, %dma_wait3A_530, %dma_wait3A_531] : memref<4x8x1024xf32, #tpu.memory_space<vmem>> -> memref<1x8x1024xf32, #tpu.memory_space<vmem>>
    %dma_wait3A_533 = tpu.memref_squeeze %dma_wait3A_532 : memref<1x8x1024xf32, #tpu.memory_space<vmem>> -> memref<8x1024xf32, #tpu.memory_space<vmem>>
    %dma_wait3A_534 = arith.constant 0 : i32
    %dma_wait3A_535 = tpu.memref_slice %arg4[%add3A_395, %dma_wait3A_534] : memref<16384x1024xf32, #tpu.memory_space<hbm>> -> memref<8x1024xf32, #tpu.memory_space<hbm>>
    %dma_wait3A_536 = arith.constant 0 : i32
    %dma_wait3A_537 = tpu.memref_slice %arg4[%add3A_395, %dma_wait3A_536] : memref<16384x1024xf32, #tpu.memory_space<hbm>> -> memref<8x1024xf32, #tpu.memory_space<hbm>>
    %dma_wait3A_538 = arith.constant 0 : i32
    %dma_wait3A_539 = arith.constant 0 : i32
    %dma_wait3A_540 = tpu.memref_slice %arg6[%dma_wait3A_529, %dma_wait3A_538, %dma_wait3A_539] : memref<4x8x1024xf32, #tpu.memory_space<vmem>> -> memref<1x8x1024xf32, #tpu.memory_space<vmem>>
    %dma_wait3A_541 = tpu.memref_squeeze %dma_wait3A_540 : memref<1x8x1024xf32, #tpu.memory_space<vmem>> -> memref<8x1024xf32, #tpu.memory_space<vmem>>
    tpu.wait_dma2 semaphore(%arg8 : memref<!tpu.dma_semaphore, #tpu.memory_space<semaphore_mem>>) src(%dma_wait3A_541 : memref<8x1024xf32, #tpu.memory_space<vmem>>) dst(%dma_wait3A_537 : memref<8x1024xf32, #tpu.memory_space<hbm>>)
    %dma_start3A_542 = arith.constant 10 : i32
    %dma_start3A_543 = arith.constant 2 : i32
    %dma_start3A_544 = arith.constant 0 : i32
    %dma_start3A_545 = arith.constant 0 : i32
    %dma_start3A_546 = tpu.memref_slice %arg6[%dma_start3A_543, %dma_start3A_544, %dma_start3A_545] : memref<4x8x1024xf32, #tpu.memory_space<vmem>> -> memref<1x8x1024xf32, #tpu.memory_space<vmem>>
    %dma_start3A_547 = tpu.memref_squeeze %dma_start3A_546 : memref<1x8x1024xf32, #tpu.memory_space<vmem>> -> memref<8x1024xf32, #tpu.memory_space<vmem>>
    %dma_start3A_548 = arith.constant 0 : i32
    %dma_start3A_549 = tpu.memref_slice %arg5[%dma_start3A_542, %dma_start3A_548] : memref<16x8xi32, #tpu.memory_space<vmem>> -> memref<1x8xi32, #tpu.memory_space<vmem>>
    %dma_start3A_550 = tpu.memref_squeeze %dma_start3A_549 : memref<1x8xi32, #tpu.memory_space<vmem>> -> memref<8xi32, #tpu.memory_space<vmem>>
    %dma_start3A_551 = arith.constant 0 : i32
    %dma_start3A_552 = arith.constant 0 : i32
    %dma_start3A_553 = tpu.memref_slice %arg2[%select_n3A_11, %dma_start3A_551, %dma_start3A_552] : memref<16x64x1024xf32, #tpu.memory_space<hbm>> -> memref<1x64x1024xf32, #tpu.memory_space<hbm>>
    %dma_start3A_554 = tpu.memref_squeeze %dma_start3A_553 : memref<1x64x1024xf32, #tpu.memory_space<hbm>> -> memref<64x1024xf32, #tpu.memory_space<hbm>>
    %dma_start3A_555 = arith.constant 0 : i32
    %dma_start3A_556 = arith.constant 0 : i32
    %dma_start3A_557 = tpu.memref_slice %dma_start3A_554[%dma_start3A_555, %dma_start3A_556] : memref<64x1024xf32, #tpu.memory_space<hbm>> -> memref<64x1024xf32, #tpu.memory_space<hbm>>
    tpu.enqueue_indirect_dma source(%dma_start3A_557 : memref<64x1024xf32, #tpu.memory_space<hbm>>) target(%dma_start3A_547 : memref<8x1024xf32, #tpu.memory_space<vmem>>) offsets(%dma_start3A_550 : memref<8xi32, #tpu.memory_space<vmem>>) semaphore(%arg7 : memref<!tpu.dma_semaphore, #tpu.memory_space<semaphore_mem>>)
    %dma_wait3A_558 = arith.constant 9 : i32
    %dma_wait3A_559 = arith.constant 1 : i32
    %dma_wait3A_560 = arith.constant 0 : i32
    %dma_wait3A_561 = arith.constant 0 : i32
    %dma_wait3A_562 = tpu.memref_slice %arg6[%dma_wait3A_559, %dma_wait3A_560, %dma_wait3A_561] : memref<4x8x1024xf32, #tpu.memory_space<vmem>> -> memref<1x8x1024xf32, #tpu.memory_space<vmem>>
    %dma_wait3A_563 = tpu.memref_squeeze %dma_wait3A_562 : memref<1x8x1024xf32, #tpu.memory_space<vmem>> -> memref<8x1024xf32, #tpu.memory_space<vmem>>
    %dma_wait3A_564 = arith.constant 0 : i32
    %dma_wait3A_565 = tpu.memref_slice %arg5[%dma_wait3A_558, %dma_wait3A_564] : memref<16x8xi32, #tpu.memory_space<vmem>> -> memref<1x8xi32, #tpu.memory_space<vmem>>
    %dma_wait3A_566 = tpu.memref_squeeze %dma_wait3A_565 : memref<1x8xi32, #tpu.memory_space<vmem>> -> memref<8xi32, #tpu.memory_space<vmem>>
    %dma_wait3A_567 = arith.constant 0 : i32
    %dma_wait3A_568 = arith.constant 0 : i32
    %dma_wait3A_569 = tpu.memref_slice %arg2[%select_n3A_11, %dma_wait3A_567, %dma_wait3A_568] : memref<16x64x1024xf32, #tpu.memory_space<hbm>> -> memref<1x64x1024xf32, #tpu.memory_space<hbm>>
    %dma_wait3A_570 = tpu.memref_squeeze %dma_wait3A_569 : memref<1x64x1024xf32, #tpu.memory_space<hbm>> -> memref<64x1024xf32, #tpu.memory_space<hbm>>
    %dma_wait3A_571 = arith.constant 0 : i32
    %dma_wait3A_572 = arith.constant 0 : i32
    %dma_wait3A_573 = tpu.memref_slice %dma_wait3A_570[%dma_wait3A_571, %dma_wait3A_572] : memref<64x1024xf32, #tpu.memory_space<hbm>> -> memref<64x1024xf32, #tpu.memory_space<hbm>>
    tpu.wait_indirect_dma semaphore(%arg7 : memref<!tpu.dma_semaphore, #tpu.memory_space<semaphore_mem>>) src(%dma_wait3A_573 : memref<64x1024xf32, #tpu.memory_space<hbm>>) dst(%dma_wait3A_563 : memref<8x1024xf32, #tpu.memory_space<vmem>>)
    %add3A_574 = arith.constant 72 : i32
    %add3A_575 = arith.addi %mul3A_2, %add3A_574 : i32
    %dma_start3A_576 = arith.constant 1 : i32
    %dma_start3A_577 = arith.constant 0 : i32
    %dma_start3A_578 = arith.constant 0 : i32
    %dma_start3A_579 = tpu.memref_slice %arg6[%dma_start3A_576, %dma_start3A_577, %dma_start3A_578] : memref<4x8x1024xf32, #tpu.memory_space<vmem>> -> memref<1x8x1024xf32, #tpu.memory_space<vmem>>
    %dma_start3A_580 = tpu.memref_squeeze %dma_start3A_579 : memref<1x8x1024xf32, #tpu.memory_space<vmem>> -> memref<8x1024xf32, #tpu.memory_space<vmem>>
    %dma_start3A_581 = arith.constant 0 : i32
    %dma_start3A_582 = tpu.memref_slice %arg4[%add3A_575, %dma_start3A_581] : memref<16384x1024xf32, #tpu.memory_space<hbm>> -> memref<8x1024xf32, #tpu.memory_space<hbm>>
    %dma_start3A_583 = arith.constant 0 : i32
    %dma_start3A_584 = tpu.memref_slice %arg4[%add3A_575, %dma_start3A_583] : memref<16384x1024xf32, #tpu.memory_space<hbm>> -> memref<8x1024xf32, #tpu.memory_space<hbm>>
    %dma_start3A_585 = arith.constant 0 : i32
    %dma_start3A_586 = arith.constant 0 : i32
    %dma_start3A_587 = tpu.memref_slice %arg6[%dma_start3A_576, %dma_start3A_585, %dma_start3A_586] : memref<4x8x1024xf32, #tpu.memory_space<vmem>> -> memref<1x8x1024xf32, #tpu.memory_space<vmem>>
    %dma_start3A_588 = tpu.memref_squeeze %dma_start3A_587 : memref<1x8x1024xf32, #tpu.memory_space<vmem>> -> memref<8x1024xf32, #tpu.memory_space<vmem>>
    tpu.enqueue_dma source(%dma_start3A_588 : memref<8x1024xf32, #tpu.memory_space<vmem>>) target(%dma_start3A_584 : memref<8x1024xf32, #tpu.memory_space<hbm>>) target_semaphore(%arg8 : memref<!tpu.dma_semaphore, #tpu.memory_space<semaphore_mem>>)
    %dma_wait3A_589 = arith.constant 3 : i32
    %dma_wait3A_590 = arith.constant 0 : i32
    %dma_wait3A_591 = arith.constant 0 : i32
    %dma_wait3A_592 = tpu.memref_slice %arg6[%dma_wait3A_589, %dma_wait3A_590, %dma_wait3A_591] : memref<4x8x1024xf32, #tpu.memory_space<vmem>> -> memref<1x8x1024xf32, #tpu.memory_space<vmem>>
    %dma_wait3A_593 = tpu.memref_squeeze %dma_wait3A_592 : memref<1x8x1024xf32, #tpu.memory_space<vmem>> -> memref<8x1024xf32, #tpu.memory_space<vmem>>
    %dma_wait3A_594 = arith.constant 0 : i32
    %dma_wait3A_595 = tpu.memref_slice %arg4[%add3A_455, %dma_wait3A_594] : memref<16384x1024xf32, #tpu.memory_space<hbm>> -> memref<8x1024xf32, #tpu.memory_space<hbm>>
    %dma_wait3A_596 = arith.constant 0 : i32
    %dma_wait3A_597 = tpu.memref_slice %arg4[%add3A_455, %dma_wait3A_596] : memref<16384x1024xf32, #tpu.memory_space<hbm>> -> memref<8x1024xf32, #tpu.memory_space<hbm>>
    %dma_wait3A_598 = arith.constant 0 : i32
    %dma_wait3A_599 = arith.constant 0 : i32
    %dma_wait3A_600 = tpu.memref_slice %arg6[%dma_wait3A_589, %dma_wait3A_598, %dma_wait3A_599] : memref<4x8x1024xf32, #tpu.memory_space<vmem>> -> memref<1x8x1024xf32, #tpu.memory_space<vmem>>
    %dma_wait3A_601 = tpu.memref_squeeze %dma_wait3A_600 : memref<1x8x1024xf32, #tpu.memory_space<vmem>> -> memref<8x1024xf32, #tpu.memory_space<vmem>>
    tpu.wait_dma2 semaphore(%arg8 : memref<!tpu.dma_semaphore, #tpu.memory_space<semaphore_mem>>) src(%dma_wait3A_601 : memref<8x1024xf32, #tpu.memory_space<vmem>>) dst(%dma_wait3A_597 : memref<8x1024xf32, #tpu.memory_space<hbm>>)
    %dma_start3A_602 = arith.constant 11 : i32
    %dma_start3A_603 = arith.constant 3 : i32
    %dma_start3A_604 = arith.constant 0 : i32
    %dma_start3A_605 = arith.constant 0 : i32
    %dma_start3A_606 = tpu.memref_slice %arg6[%dma_start3A_603, %dma_start3A_604, %dma_start3A_605] : memref<4x8x1024xf32, #tpu.memory_space<vmem>> -> memref<1x8x1024xf32, #tpu.memory_space<vmem>>
    %dma_start3A_607 = tpu.memref_squeeze %dma_start3A_606 : memref<1x8x1024xf32, #tpu.memory_space<vmem>> -> memref<8x1024xf32, #tpu.memory_space<vmem>>
    %dma_start3A_608 = arith.constant 0 : i32
    %dma_start3A_609 = tpu.memref_slice %arg5[%dma_start3A_602, %dma_start3A_608] : memref<16x8xi32, #tpu.memory_space<vmem>> -> memref<1x8xi32, #tpu.memory_space<vmem>>
    %dma_start3A_610 = tpu.memref_squeeze %dma_start3A_609 : memref<1x8xi32, #tpu.memory_space<vmem>> -> memref<8xi32, #tpu.memory_space<vmem>>
    %dma_start3A_611 = arith.constant 0 : i32
    %dma_start3A_612 = arith.constant 0 : i32
    %dma_start3A_613 = tpu.memref_slice %arg2[%select_n3A_11, %dma_start3A_611, %dma_start3A_612] : memref<16x64x1024xf32, #tpu.memory_space<hbm>> -> memref<1x64x1024xf32, #tpu.memory_space<hbm>>
    %dma_start3A_614 = tpu.memref_squeeze %dma_start3A_613 : memref<1x64x1024xf32, #tpu.memory_space<hbm>> -> memref<64x1024xf32, #tpu.memory_space<hbm>>
    %dma_start3A_615 = arith.constant 0 : i32
    %dma_start3A_616 = arith.constant 0 : i32
    %dma_start3A_617 = tpu.memref_slice %dma_start3A_614[%dma_start3A_615, %dma_start3A_616] : memref<64x1024xf32, #tpu.memory_space<hbm>> -> memref<64x1024xf32, #tpu.memory_space<hbm>>
    tpu.enqueue_indirect_dma source(%dma_start3A_617 : memref<64x1024xf32, #tpu.memory_space<hbm>>) target(%dma_start3A_607 : memref<8x1024xf32, #tpu.memory_space<vmem>>) offsets(%dma_start3A_610 : memref<8xi32, #tpu.memory_space<vmem>>) semaphore(%arg7 : memref<!tpu.dma_semaphore, #tpu.memory_space<semaphore_mem>>)
    %dma_wait3A_618 = arith.constant 10 : i32
    %dma_wait3A_619 = arith.constant 2 : i32
    %dma_wait3A_620 = arith.constant 0 : i32
    %dma_wait3A_621 = arith.constant 0 : i32
    %dma_wait3A_622 = tpu.memref_slice %arg6[%dma_wait3A_619, %dma_wait3A_620, %dma_wait3A_621] : memref<4x8x1024xf32, #tpu.memory_space<vmem>> -> memref<1x8x1024xf32, #tpu.memory_space<vmem>>
    %dma_wait3A_623 = tpu.memref_squeeze %dma_wait3A_622 : memref<1x8x1024xf32, #tpu.memory_space<vmem>> -> memref<8x1024xf32, #tpu.memory_space<vmem>>
    %dma_wait3A_624 = arith.constant 0 : i32
    %dma_wait3A_625 = tpu.memref_slice %arg5[%dma_wait3A_618, %dma_wait3A_624] : memref<16x8xi32, #tpu.memory_space<vmem>> -> memref<1x8xi32, #tpu.memory_space<vmem>>
    %dma_wait3A_626 = tpu.memref_squeeze %dma_wait3A_625 : memref<1x8xi32, #tpu.memory_space<vmem>> -> memref<8xi32, #tpu.memory_space<vmem>>
    %dma_wait3A_627 = arith.constant 0 : i32
    %dma_wait3A_628 = arith.constant 0 : i32
    %dma_wait3A_629 = tpu.memref_slice %arg2[%select_n3A_11, %dma_wait3A_627, %dma_wait3A_628] : memref<16x64x1024xf32, #tpu.memory_space<hbm>> -> memref<1x64x1024xf32, #tpu.memory_space<hbm>>
    %dma_wait3A_630 = tpu.memref_squeeze %dma_wait3A_629 : memref<1x64x1024xf32, #tpu.memory_space<hbm>> -> memref<64x1024xf32, #tpu.memory_space<hbm>>
    %dma_wait3A_631 = arith.constant 0 : i32
    %dma_wait3A_632 = arith.constant 0 : i32
    %dma_wait3A_633 = tpu.memref_slice %dma_wait3A_630[%dma_wait3A_631, %dma_wait3A_632] : memref<64x1024xf32, #tpu.memory_space<hbm>> -> memref<64x1024xf32, #tpu.memory_space<hbm>>
    tpu.wait_indirect_dma semaphore(%arg7 : memref<!tpu.dma_semaphore, #tpu.memory_space<semaphore_mem>>) src(%dma_wait3A_633 : memref<64x1024xf32, #tpu.memory_space<hbm>>) dst(%dma_wait3A_623 : memref<8x1024xf32, #tpu.memory_space<vmem>>)
    %add3A_634 = arith.constant 80 : i32
    %add3A_635 = arith.addi %mul3A_2, %add3A_634 : i32
    %dma_start3A_636 = arith.constant 2 : i32
    %dma_start3A_637 = arith.constant 0 : i32
    %dma_start3A_638 = arith.constant 0 : i32
    %dma_start3A_639 = tpu.memref_slice %arg6[%dma_start3A_636, %dma_start3A_637, %dma_start3A_638] : memref<4x8x1024xf32, #tpu.memory_space<vmem>> -> memref<1x8x1024xf32, #tpu.memory_space<vmem>>
    %dma_start3A_640 = tpu.memref_squeeze %dma_start3A_639 : memref<1x8x1024xf32, #tpu.memory_space<vmem>> -> memref<8x1024xf32, #tpu.memory_space<vmem>>
    %dma_start3A_641 = arith.constant 0 : i32
    %dma_start3A_642 = tpu.memref_slice %arg4[%add3A_635, %dma_start3A_641] : memref<16384x1024xf32, #tpu.memory_space<hbm>> -> memref<8x1024xf32, #tpu.memory_space<hbm>>
    %dma_start3A_643 = arith.constant 0 : i32
    %dma_start3A_644 = tpu.memref_slice %arg4[%add3A_635, %dma_start3A_643] : memref<16384x1024xf32, #tpu.memory_space<hbm>> -> memref<8x1024xf32, #tpu.memory_space<hbm>>
    %dma_start3A_645 = arith.constant 0 : i32
    %dma_start3A_646 = arith.constant 0 : i32
    %dma_start3A_647 = tpu.memref_slice %arg6[%dma_start3A_636, %dma_start3A_645, %dma_start3A_646] : memref<4x8x1024xf32, #tpu.memory_space<vmem>> -> memref<1x8x1024xf32, #tpu.memory_space<vmem>>
    %dma_start3A_648 = tpu.memref_squeeze %dma_start3A_647 : memref<1x8x1024xf32, #tpu.memory_space<vmem>> -> memref<8x1024xf32, #tpu.memory_space<vmem>>
    tpu.enqueue_dma source(%dma_start3A_648 : memref<8x1024xf32, #tpu.memory_space<vmem>>) target(%dma_start3A_644 : memref<8x1024xf32, #tpu.memory_space<hbm>>) target_semaphore(%arg8 : memref<!tpu.dma_semaphore, #tpu.memory_space<semaphore_mem>>)
    %dma_wait3A_649 = arith.constant 0 : i32
    %dma_wait3A_650 = arith.constant 0 : i32
    %dma_wait3A_651 = arith.constant 0 : i32
    %dma_wait3A_652 = tpu.memref_slice %arg6[%dma_wait3A_649, %dma_wait3A_650, %dma_wait3A_651] : memref<4x8x1024xf32, #tpu.memory_space<vmem>> -> memref<1x8x1024xf32, #tpu.memory_space<vmem>>
    %dma_wait3A_653 = tpu.memref_squeeze %dma_wait3A_652 : memref<1x8x1024xf32, #tpu.memory_space<vmem>> -> memref<8x1024xf32, #tpu.memory_space<vmem>>
    %dma_wait3A_654 = arith.constant 0 : i32
    %dma_wait3A_655 = tpu.memref_slice %arg4[%add3A_515, %dma_wait3A_654] : memref<16384x1024xf32, #tpu.memory_space<hbm>> -> memref<8x1024xf32, #tpu.memory_space<hbm>>
    %dma_wait3A_656 = arith.constant 0 : i32
    %dma_wait3A_657 = tpu.memref_slice %arg4[%add3A_515, %dma_wait3A_656] : memref<16384x1024xf32, #tpu.memory_space<hbm>> -> memref<8x1024xf32, #tpu.memory_space<hbm>>
    %dma_wait3A_658 = arith.constant 0 : i32
    %dma_wait3A_659 = arith.constant 0 : i32
    %dma_wait3A_660 = tpu.memref_slice %arg6[%dma_wait3A_649, %dma_wait3A_658, %dma_wait3A_659] : memref<4x8x1024xf32, #tpu.memory_space<vmem>> -> memref<1x8x1024xf32, #tpu.memory_space<vmem>>
    %dma_wait3A_661 = tpu.memref_squeeze %dma_wait3A_660 : memref<1x8x1024xf32, #tpu.memory_space<vmem>> -> memref<8x1024xf32, #tpu.memory_space<vmem>>
    tpu.wait_dma2 semaphore(%arg8 : memref<!tpu.dma_semaphore, #tpu.memory_space<semaphore_mem>>) src(%dma_wait3A_661 : memref<8x1024xf32, #tpu.memory_space<vmem>>) dst(%dma_wait3A_657 : memref<8x1024xf32, #tpu.memory_space<hbm>>)
    %dma_start3A_662 = arith.constant 12 : i32
    %dma_start3A_663 = arith.constant 0 : i32
    %dma_start3A_664 = arith.constant 0 : i32
    %dma_start3A_665 = arith.constant 0 : i32
    %dma_start3A_666 = tpu.memref_slice %arg6[%dma_start3A_663, %dma_start3A_664, %dma_start3A_665] : memref<4x8x1024xf32, #tpu.memory_space<vmem>> -> memref<1x8x1024xf32, #tpu.memory_space<vmem>>
    %dma_start3A_667 = tpu.memref_squeeze %dma_start3A_666 : memref<1x8x1024xf32, #tpu.memory_space<vmem>> -> memref<8x1024xf32, #tpu.memory_space<vmem>>
    %dma_start3A_668 = arith.constant 0 : i32
    %dma_start3A_669 = tpu.memref_slice %arg5[%dma_start3A_662, %dma_start3A_668] : memref<16x8xi32, #tpu.memory_space<vmem>> -> memref<1x8xi32, #tpu.memory_space<vmem>>
    %dma_start3A_670 = tpu.memref_squeeze %dma_start3A_669 : memref<1x8xi32, #tpu.memory_space<vmem>> -> memref<8xi32, #tpu.memory_space<vmem>>
    %dma_start3A_671 = arith.constant 0 : i32
    %dma_start3A_672 = arith.constant 0 : i32
    %dma_start3A_673 = tpu.memref_slice %arg2[%select_n3A_11, %dma_start3A_671, %dma_start3A_672] : memref<16x64x1024xf32, #tpu.memory_space<hbm>> -> memref<1x64x1024xf32, #tpu.memory_space<hbm>>
    %dma_start3A_674 = tpu.memref_squeeze %dma_start3A_673 : memref<1x64x1024xf32, #tpu.memory_space<hbm>> -> memref<64x1024xf32, #tpu.memory_space<hbm>>
    %dma_start3A_675 = arith.constant 0 : i32
    %dma_start3A_676 = arith.constant 0 : i32
    %dma_start3A_677 = tpu.memref_slice %dma_start3A_674[%dma_start3A_675, %dma_start3A_676] : memref<64x1024xf32, #tpu.memory_space<hbm>> -> memref<64x1024xf32, #tpu.memory_space<hbm>>
    tpu.enqueue_indirect_dma source(%dma_start3A_677 : memref<64x1024xf32, #tpu.memory_space<hbm>>) target(%dma_start3A_667 : memref<8x1024xf32, #tpu.memory_space<vmem>>) offsets(%dma_start3A_670 : memref<8xi32, #tpu.memory_space<vmem>>) semaphore(%arg7 : memref<!tpu.dma_semaphore, #tpu.memory_space<semaphore_mem>>)
    %dma_wait3A_678 = arith.constant 11 : i32
    %dma_wait3A_679 = arith.constant 3 : i32
    %dma_wait3A_680 = arith.constant 0 : i32
    %dma_wait3A_681 = arith.constant 0 : i32
    %dma_wait3A_682 = tpu.memref_slice %arg6[%dma_wait3A_679, %dma_wait3A_680, %dma_wait3A_681] : memref<4x8x1024xf32, #tpu.memory_space<vmem>> -> memref<1x8x1024xf32, #tpu.memory_space<vmem>>
    %dma_wait3A_683 = tpu.memref_squeeze %dma_wait3A_682 : memref<1x8x1024xf32, #tpu.memory_space<vmem>> -> memref<8x1024xf32, #tpu.memory_space<vmem>>
    %dma_wait3A_684 = arith.constant 0 : i32
    %dma_wait3A_685 = tpu.memref_slice %arg5[%dma_wait3A_678, %dma_wait3A_684] : memref<16x8xi32, #tpu.memory_space<vmem>> -> memref<1x8xi32, #tpu.memory_space<vmem>>
    %dma_wait3A_686 = tpu.memref_squeeze %dma_wait3A_685 : memref<1x8xi32, #tpu.memory_space<vmem>> -> memref<8xi32, #tpu.memory_space<vmem>>
    %dma_wait3A_687 = arith.constant 0 : i32
    %dma_wait3A_688 = arith.constant 0 : i32
    %dma_wait3A_689 = tpu.memref_slice %arg2[%select_n3A_11, %dma_wait3A_687, %dma_wait3A_688] : memref<16x64x1024xf32, #tpu.memory_space<hbm>> -> memref<1x64x1024xf32, #tpu.memory_space<hbm>>
    %dma_wait3A_690 = tpu.memref_squeeze %dma_wait3A_689 : memref<1x64x1024xf32, #tpu.memory_space<hbm>> -> memref<64x1024xf32, #tpu.memory_space<hbm>>
    %dma_wait3A_691 = arith.constant 0 : i32
    %dma_wait3A_692 = arith.constant 0 : i32
    %dma_wait3A_693 = tpu.memref_slice %dma_wait3A_690[%dma_wait3A_691, %dma_wait3A_692] : memref<64x1024xf32, #tpu.memory_space<hbm>> -> memref<64x1024xf32, #tpu.memory_space<hbm>>
    tpu.wait_indirect_dma semaphore(%arg7 : memref<!tpu.dma_semaphore, #tpu.memory_space<semaphore_mem>>) src(%dma_wait3A_693 : memref<64x1024xf32, #tpu.memory_space<hbm>>) dst(%dma_wait3A_683 : memref<8x1024xf32, #tpu.memory_space<vmem>>)
    %add3A_694 = arith.constant 88 : i32
    %add3A_695 = arith.addi %mul3A_2, %add3A_694 : i32
    %dma_start3A_696 = arith.constant 3 : i32
    %dma_start3A_697 = arith.constant 0 : i32
    %dma_start3A_698 = arith.constant 0 : i32
    %dma_start3A_699 = tpu.memref_slice %arg6[%dma_start3A_696, %dma_start3A_697, %dma_start3A_698] : memref<4x8x1024xf32, #tpu.memory_space<vmem>> -> memref<1x8x1024xf32, #tpu.memory_space<vmem>>
    %dma_start3A_700 = tpu.memref_squeeze %dma_start3A_699 : memref<1x8x1024xf32, #tpu.memory_space<vmem>> -> memref<8x1024xf32, #tpu.memory_space<vmem>>
    %dma_start3A_701 = arith.constant 0 : i32
    %dma_start3A_702 = tpu.memref_slice %arg4[%add3A_695, %dma_start3A_701] : memref<16384x1024xf32, #tpu.memory_space<hbm>> -> memref<8x1024xf32, #tpu.memory_space<hbm>>
    %dma_start3A_703 = arith.constant 0 : i32
    %dma_start3A_704 = tpu.memref_slice %arg4[%add3A_695, %dma_start3A_703] : memref<16384x1024xf32, #tpu.memory_space<hbm>> -> memref<8x1024xf32, #tpu.memory_space<hbm>>
    %dma_start3A_705 = arith.constant 0 : i32
    %dma_start3A_706 = arith.constant 0 : i32
    %dma_start3A_707 = tpu.memref_slice %arg6[%dma_start3A_696, %dma_start3A_705, %dma_start3A_706] : memref<4x8x1024xf32, #tpu.memory_space<vmem>> -> memref<1x8x1024xf32, #tpu.memory_space<vmem>>
    %dma_start3A_708 = tpu.memref_squeeze %dma_start3A_707 : memref<1x8x1024xf32, #tpu.memory_space<vmem>> -> memref<8x1024xf32, #tpu.memory_space<vmem>>
    tpu.enqueue_dma source(%dma_start3A_708 : memref<8x1024xf32, #tpu.memory_space<vmem>>) target(%dma_start3A_704 : memref<8x1024xf32, #tpu.memory_space<hbm>>) target_semaphore(%arg8 : memref<!tpu.dma_semaphore, #tpu.memory_space<semaphore_mem>>)
    %dma_wait3A_709 = arith.constant 1 : i32
    %dma_wait3A_710 = arith.constant 0 : i32
    %dma_wait3A_711 = arith.constant 0 : i32
    %dma_wait3A_712 = tpu.memref_slice %arg6[%dma_wait3A_709, %dma_wait3A_710, %dma_wait3A_711] : memref<4x8x1024xf32, #tpu.memory_space<vmem>> -> memref<1x8x1024xf32, #tpu.memory_space<vmem>>
    %dma_wait3A_713 = tpu.memref_squeeze %dma_wait3A_712 : memref<1x8x1024xf32, #tpu.memory_space<vmem>> -> memref<8x1024xf32, #tpu.memory_space<vmem>>
    %dma_wait3A_714 = arith.constant 0 : i32
    %dma_wait3A_715 = tpu.memref_slice %arg4[%add3A_575, %dma_wait3A_714] : memref<16384x1024xf32, #tpu.memory_space<hbm>> -> memref<8x1024xf32, #tpu.memory_space<hbm>>
    %dma_wait3A_716 = arith.constant 0 : i32
    %dma_wait3A_717 = tpu.memref_slice %arg4[%add3A_575, %dma_wait3A_716] : memref<16384x1024xf32, #tpu.memory_space<hbm>> -> memref<8x1024xf32, #tpu.memory_space<hbm>>
    %dma_wait3A_718 = arith.constant 0 : i32
    %dma_wait3A_719 = arith.constant 0 : i32
    %dma_wait3A_720 = tpu.memref_slice %arg6[%dma_wait3A_709, %dma_wait3A_718, %dma_wait3A_719] : memref<4x8x1024xf32, #tpu.memory_space<vmem>> -> memref<1x8x1024xf32, #tpu.memory_space<vmem>>
    %dma_wait3A_721 = tpu.memref_squeeze %dma_wait3A_720 : memref<1x8x1024xf32, #tpu.memory_space<vmem>> -> memref<8x1024xf32, #tpu.memory_space<vmem>>
    tpu.wait_dma2 semaphore(%arg8 : memref<!tpu.dma_semaphore, #tpu.memory_space<semaphore_mem>>) src(%dma_wait3A_721 : memref<8x1024xf32, #tpu.memory_space<vmem>>) dst(%dma_wait3A_717 : memref<8x1024xf32, #tpu.memory_space<hbm>>)
    %dma_start3A_722 = arith.constant 13 : i32
    %dma_start3A_723 = arith.constant 1 : i32
    %dma_start3A_724 = arith.constant 0 : i32
    %dma_start3A_725 = arith.constant 0 : i32
    %dma_start3A_726 = tpu.memref_slice %arg6[%dma_start3A_723, %dma_start3A_724, %dma_start3A_725] : memref<4x8x1024xf32, #tpu.memory_space<vmem>> -> memref<1x8x1024xf32, #tpu.memory_space<vmem>>
    %dma_start3A_727 = tpu.memref_squeeze %dma_start3A_726 : memref<1x8x1024xf32, #tpu.memory_space<vmem>> -> memref<8x1024xf32, #tpu.memory_space<vmem>>
    %dma_start3A_728 = arith.constant 0 : i32
    %dma_start3A_729 = tpu.memref_slice %arg5[%dma_start3A_722, %dma_start3A_728] : memref<16x8xi32, #tpu.memory_space<vmem>> -> memref<1x8xi32, #tpu.memory_space<vmem>>
    %dma_start3A_730 = tpu.memref_squeeze %dma_start3A_729 : memref<1x8xi32, #tpu.memory_space<vmem>> -> memref<8xi32, #tpu.memory_space<vmem>>
    %dma_start3A_731 = arith.constant 0 : i32
    %dma_start3A_732 = arith.constant 0 : i32
    %dma_start3A_733 = tpu.memref_slice %arg2[%select_n3A_11, %dma_start3A_731, %dma_start3A_732] : memref<16x64x1024xf32, #tpu.memory_space<hbm>> -> memref<1x64x1024xf32, #tpu.memory_space<hbm>>
    %dma_start3A_734 = tpu.memref_squeeze %dma_start3A_733 : memref<1x64x1024xf32, #tpu.memory_space<hbm>> -> memref<64x1024xf32, #tpu.memory_space<hbm>>
    %dma_start3A_735 = arith.constant 0 : i32
    %dma_start3A_736 = arith.constant 0 : i32
    %dma_start3A_737 = tpu.memref_slice %dma_start3A_734[%dma_start3A_735, %dma_start3A_736] : memref<64x1024xf32, #tpu.memory_space<hbm>> -> memref<64x1024xf32, #tpu.memory_space<hbm>>
    tpu.enqueue_indirect_dma source(%dma_start3A_737 : memref<64x1024xf32, #tpu.memory_space<hbm>>) target(%dma_start3A_727 : memref<8x1024xf32, #tpu.memory_space<vmem>>) offsets(%dma_start3A_730 : memref<8xi32, #tpu.memory_space<vmem>>) semaphore(%arg7 : memref<!tpu.dma_semaphore, #tpu.memory_space<semaphore_mem>>)
    %dma_wait3A_738 = arith.constant 12 : i32
    %dma_wait3A_739 = arith.constant 0 : i32
    %dma_wait3A_740 = arith.constant 0 : i32
    %dma_wait3A_741 = arith.constant 0 : i32
    %dma_wait3A_742 = tpu.memref_slice %arg6[%dma_wait3A_739, %dma_wait3A_740, %dma_wait3A_741] : memref<4x8x1024xf32, #tpu.memory_space<vmem>> -> memref<1x8x1024xf32, #tpu.memory_space<vmem>>
    %dma_wait3A_743 = tpu.memref_squeeze %dma_wait3A_742 : memref<1x8x1024xf32, #tpu.memory_space<vmem>> -> memref<8x1024xf32, #tpu.memory_space<vmem>>
    %dma_wait3A_744 = arith.constant 0 : i32
    %dma_wait3A_745 = tpu.memref_slice %arg5[%dma_wait3A_738, %dma_wait3A_744] : memref<16x8xi32, #tpu.memory_space<vmem>> -> memref<1x8xi32, #tpu.memory_space<vmem>>
    %dma_wait3A_746 = tpu.memref_squeeze %dma_wait3A_745 : memref<1x8xi32, #tpu.memory_space<vmem>> -> memref<8xi32, #tpu.memory_space<vmem>>
    %dma_wait3A_747 = arith.constant 0 : i32
    %dma_wait3A_748 = arith.constant 0 : i32
    %dma_wait3A_749 = tpu.memref_slice %arg2[%select_n3A_11, %dma_wait3A_747, %dma_wait3A_748] : memref<16x64x1024xf32, #tpu.memory_space<hbm>> -> memref<1x64x1024xf32, #tpu.memory_space<hbm>>
    %dma_wait3A_750 = tpu.memref_squeeze %dma_wait3A_749 : memref<1x64x1024xf32, #tpu.memory_space<hbm>> -> memref<64x1024xf32, #tpu.memory_space<hbm>>
    %dma_wait3A_751 = arith.constant 0 : i32
    %dma_wait3A_752 = arith.constant 0 : i32
    %dma_wait3A_753 = tpu.memref_slice %dma_wait3A_750[%dma_wait3A_751, %dma_wait3A_752] : memref<64x1024xf32, #tpu.memory_space<hbm>> -> memref<64x1024xf32, #tpu.memory_space<hbm>>
    tpu.wait_indirect_dma semaphore(%arg7 : memref<!tpu.dma_semaphore, #tpu.memory_space<semaphore_mem>>) src(%dma_wait3A_753 : memref<64x1024xf32, #tpu.memory_space<hbm>>) dst(%dma_wait3A_743 : memref<8x1024xf32, #tpu.memory_space<vmem>>)
    %add3A_754 = arith.constant 96 : i32
    %add3A_755 = arith.addi %mul3A_2, %add3A_754 : i32
    %dma_start3A_756 = arith.constant 0 : i32
    %dma_start3A_757 = arith.constant 0 : i32
    %dma_start3A_758 = arith.constant 0 : i32
    %dma_start3A_759 = tpu.memref_slice %arg6[%dma_start3A_756, %dma_start3A_757, %dma_start3A_758] : memref<4x8x1024xf32, #tpu.memory_space<vmem>> -> memref<1x8x1024xf32, #tpu.memory_space<vmem>>
    %dma_start3A_760 = tpu.memref_squeeze %dma_start3A_759 : memref<1x8x1024xf32, #tpu.memory_space<vmem>> -> memref<8x1024xf32, #tpu.memory_space<vmem>>
    %dma_start3A_761 = arith.constant 0 : i32
    %dma_start3A_762 = tpu.memref_slice %arg4[%add3A_755, %dma_start3A_761] : memref<16384x1024xf32, #tpu.memory_space<hbm>> -> memref<8x1024xf32, #tpu.memory_space<hbm>>
    %dma_start3A_763 = arith.constant 0 : i32
    %dma_start3A_764 = tpu.memref_slice %arg4[%add3A_755, %dma_start3A_763] : memref<16384x1024xf32, #tpu.memory_space<hbm>> -> memref<8x1024xf32, #tpu.memory_space<hbm>>
    %dma_start3A_765 = arith.constant 0 : i32
    %dma_start3A_766 = arith.constant 0 : i32
    %dma_start3A_767 = tpu.memref_slice %arg6[%dma_start3A_756, %dma_start3A_765, %dma_start3A_766] : memref<4x8x1024xf32, #tpu.memory_space<vmem>> -> memref<1x8x1024xf32, #tpu.memory_space<vmem>>
    %dma_start3A_768 = tpu.memref_squeeze %dma_start3A_767 : memref<1x8x1024xf32, #tpu.memory_space<vmem>> -> memref<8x1024xf32, #tpu.memory_space<vmem>>
    tpu.enqueue_dma source(%dma_start3A_768 : memref<8x1024xf32, #tpu.memory_space<vmem>>) target(%dma_start3A_764 : memref<8x1024xf32, #tpu.memory_space<hbm>>) target_semaphore(%arg8 : memref<!tpu.dma_semaphore, #tpu.memory_space<semaphore_mem>>)
    %dma_wait3A_769 = arith.constant 2 : i32
    %dma_wait3A_770 = arith.constant 0 : i32
    %dma_wait3A_771 = arith.constant 0 : i32
    %dma_wait3A_772 = tpu.memref_slice %arg6[%dma_wait3A_769, %dma_wait3A_770, %dma_wait3A_771] : memref<4x8x1024xf32, #tpu.memory_space<vmem>> -> memref<1x8x1024xf32, #tpu.memory_space<vmem>>
    %dma_wait3A_773 = tpu.memref_squeeze %dma_wait3A_772 : memref<1x8x1024xf32, #tpu.memory_space<vmem>> -> memref<8x1024xf32, #tpu.memory_space<vmem>>
    %dma_wait3A_774 = arith.constant 0 : i32
    %dma_wait3A_775 = tpu.memref_slice %arg4[%add3A_635, %dma_wait3A_774] : memref<16384x1024xf32, #tpu.memory_space<hbm>> -> memref<8x1024xf32, #tpu.memory_space<hbm>>
    %dma_wait3A_776 = arith.constant 0 : i32
    %dma_wait3A_777 = tpu.memref_slice %arg4[%add3A_635, %dma_wait3A_776] : memref<16384x1024xf32, #tpu.memory_space<hbm>> -> memref<8x1024xf32, #tpu.memory_space<hbm>>
    %dma_wait3A_778 = arith.constant 0 : i32
    %dma_wait3A_779 = arith.constant 0 : i32
    %dma_wait3A_780 = tpu.memref_slice %arg6[%dma_wait3A_769, %dma_wait3A_778, %dma_wait3A_779] : memref<4x8x1024xf32, #tpu.memory_space<vmem>> -> memref<1x8x1024xf32, #tpu.memory_space<vmem>>
    %dma_wait3A_781 = tpu.memref_squeeze %dma_wait3A_780 : memref<1x8x1024xf32, #tpu.memory_space<vmem>> -> memref<8x1024xf32, #tpu.memory_space<vmem>>
    tpu.wait_dma2 semaphore(%arg8 : memref<!tpu.dma_semaphore, #tpu.memory_space<semaphore_mem>>) src(%dma_wait3A_781 : memref<8x1024xf32, #tpu.memory_space<vmem>>) dst(%dma_wait3A_777 : memref<8x1024xf32, #tpu.memory_space<hbm>>)
    %dma_start3A_782 = arith.constant 14 : i32
    %dma_start3A_783 = arith.constant 2 : i32
    %dma_start3A_784 = arith.constant 0 : i32
    %dma_start3A_785 = arith.constant 0 : i32
    %dma_start3A_786 = tpu.memref_slice %arg6[%dma_start3A_783, %dma_start3A_784, %dma_start3A_785] : memref<4x8x1024xf32, #tpu.memory_space<vmem>> -> memref<1x8x1024xf32, #tpu.memory_space<vmem>>
    %dma_start3A_787 = tpu.memref_squeeze %dma_start3A_786 : memref<1x8x1024xf32, #tpu.memory_space<vmem>> -> memref<8x1024xf32, #tpu.memory_space<vmem>>
    %dma_start3A_788 = arith.constant 0 : i32
    %dma_start3A_789 = tpu.memref_slice %arg5[%dma_start3A_782, %dma_start3A_788] : memref<16x8xi32, #tpu.memory_space<vmem>> -> memref<1x8xi32, #tpu.memory_space<vmem>>
    %dma_start3A_790 = tpu.memref_squeeze %dma_start3A_789 : memref<1x8xi32, #tpu.memory_space<vmem>> -> memref<8xi32, #tpu.memory_space<vmem>>
    %dma_start3A_791 = arith.constant 0 : i32
    %dma_start3A_792 = arith.constant 0 : i32
    %dma_start3A_793 = tpu.memref_slice %arg2[%select_n3A_11, %dma_start3A_791, %dma_start3A_792] : memref<16x64x1024xf32, #tpu.memory_space<hbm>> -> memref<1x64x1024xf32, #tpu.memory_space<hbm>>
    %dma_start3A_794 = tpu.memref_squeeze %dma_start3A_793 : memref<1x64x1024xf32, #tpu.memory_space<hbm>> -> memref<64x1024xf32, #tpu.memory_space<hbm>>
    %dma_start3A_795 = arith.constant 0 : i32
    %dma_start3A_796 = arith.constant 0 : i32
    %dma_start3A_797 = tpu.memref_slice %dma_start3A_794[%dma_start3A_795, %dma_start3A_796] : memref<64x1024xf32, #tpu.memory_space<hbm>> -> memref<64x1024xf32, #tpu.memory_space<hbm>>
    tpu.enqueue_indirect_dma source(%dma_start3A_797 : memref<64x1024xf32, #tpu.memory_space<hbm>>) target(%dma_start3A_787 : memref<8x1024xf32, #tpu.memory_space<vmem>>) offsets(%dma_start3A_790 : memref<8xi32, #tpu.memory_space<vmem>>) semaphore(%arg7 : memref<!tpu.dma_semaphore, #tpu.memory_space<semaphore_mem>>)
    %dma_wait3A_798 = arith.constant 13 : i32
    %dma_wait3A_799 = arith.constant 1 : i32
    %dma_wait3A_800 = arith.constant 0 : i32
    %dma_wait3A_801 = arith.constant 0 : i32
    %dma_wait3A_802 = tpu.memref_slice %arg6[%dma_wait3A_799, %dma_wait3A_800, %dma_wait3A_801] : memref<4x8x1024xf32, #tpu.memory_space<vmem>> -> memref<1x8x1024xf32, #tpu.memory_space<vmem>>
    %dma_wait3A_803 = tpu.memref_squeeze %dma_wait3A_802 : memref<1x8x1024xf32, #tpu.memory_space<vmem>> -> memref<8x1024xf32, #tpu.memory_space<vmem>>
    %dma_wait3A_804 = arith.constant 0 : i32
    %dma_wait3A_805 = tpu.memref_slice %arg5[%dma_wait3A_798, %dma_wait3A_804] : memref<16x8xi32, #tpu.memory_space<vmem>> -> memref<1x8xi32, #tpu.memory_space<vmem>>
    %dma_wait3A_806 = tpu.memref_squeeze %dma_wait3A_805 : memref<1x8xi32, #tpu.memory_space<vmem>> -> memref<8xi32, #tpu.memory_space<vmem>>
    %dma_wait3A_807 = arith.constant 0 : i32
    %dma_wait3A_808 = arith.constant 0 : i32
    %dma_wait3A_809 = tpu.memref_slice %arg2[%select_n3A_11, %dma_wait3A_807, %dma_wait3A_808] : memref<16x64x1024xf32, #tpu.memory_space<hbm>> -> memref<1x64x1024xf32, #tpu.memory_space<hbm>>
    %dma_wait3A_810 = tpu.memref_squeeze %dma_wait3A_809 : memref<1x64x1024xf32, #tpu.memory_space<hbm>> -> memref<64x1024xf32, #tpu.memory_space<hbm>>
    %dma_wait3A_811 = arith.constant 0 : i32
    %dma_wait3A_812 = arith.constant 0 : i32
    %dma_wait3A_813 = tpu.memref_slice %dma_wait3A_810[%dma_wait3A_811, %dma_wait3A_812] : memref<64x1024xf32, #tpu.memory_space<hbm>> -> memref<64x1024xf32, #tpu.memory_space<hbm>>
    tpu.wait_indirect_dma semaphore(%arg7 : memref<!tpu.dma_semaphore, #tpu.memory_space<semaphore_mem>>) src(%dma_wait3A_813 : memref<64x1024xf32, #tpu.memory_space<hbm>>) dst(%dma_wait3A_803 : memref<8x1024xf32, #tpu.memory_space<vmem>>)
    %add3A_814 = arith.constant 104 : i32
    %add3A_815 = arith.addi %mul3A_2, %add3A_814 : i32
    %dma_start3A_816 = arith.constant 1 : i32
    %dma_start3A_817 = arith.constant 0 : i32
    %dma_start3A_818 = arith.constant 0 : i32
    %dma_start3A_819 = tpu.memref_slice %arg6[%dma_start3A_816, %dma_start3A_817, %dma_start3A_818] : memref<4x8x1024xf32, #tpu.memory_space<vmem>> -> memref<1x8x1024xf32, #tpu.memory_space<vmem>>
    %dma_start3A_820 = tpu.memref_squeeze %dma_start3A_819 : memref<1x8x1024xf32, #tpu.memory_space<vmem>> -> memref<8x1024xf32, #tpu.memory_space<vmem>>
    %dma_start3A_821 = arith.constant 0 : i32
    %dma_start3A_822 = tpu.memref_slice %arg4[%add3A_815, %dma_start3A_821] : memref<16384x1024xf32, #tpu.memory_space<hbm>> -> memref<8x1024xf32, #tpu.memory_space<hbm>>
    %dma_start3A_823 = arith.constant 0 : i32
    %dma_start3A_824 = tpu.memref_slice %arg4[%add3A_815, %dma_start3A_823] : memref<16384x1024xf32, #tpu.memory_space<hbm>> -> memref<8x1024xf32, #tpu.memory_space<hbm>>
    %dma_start3A_825 = arith.constant 0 : i32
    %dma_start3A_826 = arith.constant 0 : i32
    %dma_start3A_827 = tpu.memref_slice %arg6[%dma_start3A_816, %dma_start3A_825, %dma_start3A_826] : memref<4x8x1024xf32, #tpu.memory_space<vmem>> -> memref<1x8x1024xf32, #tpu.memory_space<vmem>>
    %dma_start3A_828 = tpu.memref_squeeze %dma_start3A_827 : memref<1x8x1024xf32, #tpu.memory_space<vmem>> -> memref<8x1024xf32, #tpu.memory_space<vmem>>
    tpu.enqueue_dma source(%dma_start3A_828 : memref<8x1024xf32, #tpu.memory_space<vmem>>) target(%dma_start3A_824 : memref<8x1024xf32, #tpu.memory_space<hbm>>) target_semaphore(%arg8 : memref<!tpu.dma_semaphore, #tpu.memory_space<semaphore_mem>>)
    %dma_wait3A_829 = arith.constant 3 : i32
    %dma_wait3A_830 = arith.constant 0 : i32
    %dma_wait3A_831 = arith.constant 0 : i32
    %dma_wait3A_832 = tpu.memref_slice %arg6[%dma_wait3A_829, %dma_wait3A_830, %dma_wait3A_831] : memref<4x8x1024xf32, #tpu.memory_space<vmem>> -> memref<1x8x1024xf32, #tpu.memory_space<vmem>>
    %dma_wait3A_833 = tpu.memref_squeeze %dma_wait3A_832 : memref<1x8x1024xf32, #tpu.memory_space<vmem>> -> memref<8x1024xf32, #tpu.memory_space<vmem>>
    %dma_wait3A_834 = arith.constant 0 : i32
    %dma_wait3A_835 = tpu.memref_slice %arg4[%add3A_695, %dma_wait3A_834] : memref<16384x1024xf32, #tpu.memory_space<hbm>> -> memref<8x1024xf32, #tpu.memory_space<hbm>>
    %dma_wait3A_836 = arith.constant 0 : i32
    %dma_wait3A_837 = tpu.memref_slice %arg4[%add3A_695, %dma_wait3A_836] : memref<16384x1024xf32, #tpu.memory_space<hbm>> -> memref<8x1024xf32, #tpu.memory_space<hbm>>
    %dma_wait3A_838 = arith.constant 0 : i32
    %dma_wait3A_839 = arith.constant 0 : i32
    %dma_wait3A_840 = tpu.memref_slice %arg6[%dma_wait3A_829, %dma_wait3A_838, %dma_wait3A_839] : memref<4x8x1024xf32, #tpu.memory_space<vmem>> -> memref<1x8x1024xf32, #tpu.memory_space<vmem>>
    %dma_wait3A_841 = tpu.memref_squeeze %dma_wait3A_840 : memref<1x8x1024xf32, #tpu.memory_space<vmem>> -> memref<8x1024xf32, #tpu.memory_space<vmem>>
    tpu.wait_dma2 semaphore(%arg8 : memref<!tpu.dma_semaphore, #tpu.memory_space<semaphore_mem>>) src(%dma_wait3A_841 : memref<8x1024xf32, #tpu.memory_space<vmem>>) dst(%dma_wait3A_837 : memref<8x1024xf32, #tpu.memory_space<hbm>>)
    %dma_start3A_842 = arith.constant 15 : i32
    %dma_start3A_843 = arith.constant 3 : i32
    %dma_start3A_844 = arith.constant 0 : i32
    %dma_start3A_845 = arith.constant 0 : i32
    %dma_start3A_846 = tpu.memref_slice %arg6[%dma_start3A_843, %dma_start3A_844, %dma_start3A_845] : memref<4x8x1024xf32, #tpu.memory_space<vmem>> -> memref<1x8x1024xf32, #tpu.memory_space<vmem>>
    %dma_start3A_847 = tpu.memref_squeeze %dma_start3A_846 : memref<1x8x1024xf32, #tpu.memory_space<vmem>> -> memref<8x1024xf32, #tpu.memory_space<vmem>>
    %dma_start3A_848 = arith.constant 0 : i32
    %dma_start3A_849 = tpu.memref_slice %arg5[%dma_start3A_842, %dma_start3A_848] : memref<16x8xi32, #tpu.memory_space<vmem>> -> memref<1x8xi32, #tpu.memory_space<vmem>>
    %dma_start3A_850 = tpu.memref_squeeze %dma_start3A_849 : memref<1x8xi32, #tpu.memory_space<vmem>> -> memref<8xi32, #tpu.memory_space<vmem>>
    %dma_start3A_851 = arith.constant 0 : i32
    %dma_start3A_852 = arith.constant 0 : i32
    %dma_start3A_853 = tpu.memref_slice %arg2[%select_n3A_11, %dma_start3A_851, %dma_start3A_852] : memref<16x64x1024xf32, #tpu.memory_space<hbm>> -> memref<1x64x1024xf32, #tpu.memory_space<hbm>>
    %dma_start3A_854 = tpu.memref_squeeze %dma_start3A_853 : memref<1x64x1024xf32, #tpu.memory_space<hbm>> -> memref<64x1024xf32, #tpu.memory_space<hbm>>
    %dma_start3A_855 = arith.constant 0 : i32
    %dma_start3A_856 = arith.constant 0 : i32
    %dma_start3A_857 = tpu.memref_slice %dma_start3A_854[%dma_start3A_855, %dma_start3A_856] : memref<64x1024xf32, #tpu.memory_space<hbm>> -> memref<64x1024xf32, #tpu.memory_space<hbm>>
    tpu.enqueue_indirect_dma source(%dma_start3A_857 : memref<64x1024xf32, #tpu.memory_space<hbm>>) target(%dma_start3A_847 : memref<8x1024xf32, #tpu.memory_space<vmem>>) offsets(%dma_start3A_850 : memref<8xi32, #tpu.memory_space<vmem>>) semaphore(%arg7 : memref<!tpu.dma_semaphore, #tpu.memory_space<semaphore_mem>>)
    %dma_wait3A_858 = arith.constant 14 : i32
    %dma_wait3A_859 = arith.constant 2 : i32
    %dma_wait3A_860 = arith.constant 0 : i32
    %dma_wait3A_861 = arith.constant 0 : i32
    %dma_wait3A_862 = tpu.memref_slice %arg6[%dma_wait3A_859, %dma_wait3A_860, %dma_wait3A_861] : memref<4x8x1024xf32, #tpu.memory_space<vmem>> -> memref<1x8x1024xf32, #tpu.memory_space<vmem>>
    %dma_wait3A_863 = tpu.memref_squeeze %dma_wait3A_862 : memref<1x8x1024xf32, #tpu.memory_space<vmem>> -> memref<8x1024xf32, #tpu.memory_space<vmem>>
    %dma_wait3A_864 = arith.constant 0 : i32
    %dma_wait3A_865 = tpu.memref_slice %arg5[%dma_wait3A_858, %dma_wait3A_864] : memref<16x8xi32, #tpu.memory_space<vmem>> -> memref<1x8xi32, #tpu.memory_space<vmem>>
    %dma_wait3A_866 = tpu.memref_squeeze %dma_wait3A_865 : memref<1x8xi32, #tpu.memory_space<vmem>> -> memref<8xi32, #tpu.memory_space<vmem>>
    %dma_wait3A_867 = arith.constant 0 : i32
    %dma_wait3A_868 = arith.constant 0 : i32
    %dma_wait3A_869 = tpu.memref_slice %arg2[%select_n3A_11, %dma_wait3A_867, %dma_wait3A_868] : memref<16x64x1024xf32, #tpu.memory_space<hbm>> -> memref<1x64x1024xf32, #tpu.memory_space<hbm>>
    %dma_wait3A_870 = tpu.memref_squeeze %dma_wait3A_869 : memref<1x64x1024xf32, #tpu.memory_space<hbm>> -> memref<64x1024xf32, #tpu.memory_space<hbm>>
    %dma_wait3A_871 = arith.constant 0 : i32
    %dma_wait3A_872 = arith.constant 0 : i32
    %dma_wait3A_873 = tpu.memref_slice %dma_wait3A_870[%dma_wait3A_871, %dma_wait3A_872] : memref<64x1024xf32, #tpu.memory_space<hbm>> -> memref<64x1024xf32, #tpu.memory_space<hbm>>
    tpu.wait_indirect_dma semaphore(%arg7 : memref<!tpu.dma_semaphore, #tpu.memory_space<semaphore_mem>>) src(%dma_wait3A_873 : memref<64x1024xf32, #tpu.memory_space<hbm>>) dst(%dma_wait3A_863 : memref<8x1024xf32, #tpu.memory_space<vmem>>)
    %add3A_874 = arith.constant 112 : i32
    %add3A_875 = arith.addi %mul3A_2, %add3A_874 : i32
    %dma_start3A_876 = arith.constant 2 : i32
    %dma_start3A_877 = arith.constant 0 : i32
    %dma_start3A_878 = arith.constant 0 : i32
    %dma_start3A_879 = tpu.memref_slice %arg6[%dma_start3A_876, %dma_start3A_877, %dma_start3A_878] : memref<4x8x1024xf32, #tpu.memory_space<vmem>> -> memref<1x8x1024xf32, #tpu.memory_space<vmem>>
    %dma_start3A_880 = tpu.memref_squeeze %dma_start3A_879 : memref<1x8x1024xf32, #tpu.memory_space<vmem>> -> memref<8x1024xf32, #tpu.memory_space<vmem>>
    %dma_start3A_881 = arith.constant 0 : i32
    %dma_start3A_882 = tpu.memref_slice %arg4[%add3A_875, %dma_start3A_881] : memref<16384x1024xf32, #tpu.memory_space<hbm>> -> memref<8x1024xf32, #tpu.memory_space<hbm>>
    %dma_start3A_883 = arith.constant 0 : i32
    %dma_start3A_884 = tpu.memref_slice %arg4[%add3A_875, %dma_start3A_883] : memref<16384x1024xf32, #tpu.memory_space<hbm>> -> memref<8x1024xf32, #tpu.memory_space<hbm>>
    %dma_start3A_885 = arith.constant 0 : i32
    %dma_start3A_886 = arith.constant 0 : i32
    %dma_start3A_887 = tpu.memref_slice %arg6[%dma_start3A_876, %dma_start3A_885, %dma_start3A_886] : memref<4x8x1024xf32, #tpu.memory_space<vmem>> -> memref<1x8x1024xf32, #tpu.memory_space<vmem>>
    %dma_start3A_888 = tpu.memref_squeeze %dma_start3A_887 : memref<1x8x1024xf32, #tpu.memory_space<vmem>> -> memref<8x1024xf32, #tpu.memory_space<vmem>>
    tpu.enqueue_dma source(%dma_start3A_888 : memref<8x1024xf32, #tpu.memory_space<vmem>>) target(%dma_start3A_884 : memref<8x1024xf32, #tpu.memory_space<hbm>>) target_semaphore(%arg8 : memref<!tpu.dma_semaphore, #tpu.memory_space<semaphore_mem>>)
    %dma_wait3A_889 = arith.constant 15 : i32
    %dma_wait3A_890 = arith.constant 3 : i32
    %dma_wait3A_891 = arith.constant 0 : i32
    %dma_wait3A_892 = arith.constant 0 : i32
    %dma_wait3A_893 = tpu.memref_slice %arg6[%dma_wait3A_890, %dma_wait3A_891, %dma_wait3A_892] : memref<4x8x1024xf32, #tpu.memory_space<vmem>> -> memref<1x8x1024xf32, #tpu.memory_space<vmem>>
    %dma_wait3A_894 = tpu.memref_squeeze %dma_wait3A_893 : memref<1x8x1024xf32, #tpu.memory_space<vmem>> -> memref<8x1024xf32, #tpu.memory_space<vmem>>
    %dma_wait3A_895 = arith.constant 0 : i32
    %dma_wait3A_896 = tpu.memref_slice %arg5[%dma_wait3A_889, %dma_wait3A_895] : memref<16x8xi32, #tpu.memory_space<vmem>> -> memref<1x8xi32, #tpu.memory_space<vmem>>
    %dma_wait3A_897 = tpu.memref_squeeze %dma_wait3A_896 : memref<1x8xi32, #tpu.memory_space<vmem>> -> memref<8xi32, #tpu.memory_space<vmem>>
    %dma_wait3A_898 = arith.constant 0 : i32
    %dma_wait3A_899 = arith.constant 0 : i32
    %dma_wait3A_900 = tpu.memref_slice %arg2[%select_n3A_11, %dma_wait3A_898, %dma_wait3A_899] : memref<16x64x1024xf32, #tpu.memory_space<hbm>> -> memref<1x64x1024xf32, #tpu.memory_space<hbm>>
    %dma_wait3A_901 = tpu.memref_squeeze %dma_wait3A_900 : memref<1x64x1024xf32, #tpu.memory_space<hbm>> -> memref<64x1024xf32, #tpu.memory_space<hbm>>
    %dma_wait3A_902 = arith.constant 0 : i32
    %dma_wait3A_903 = arith.constant 0 : i32
    %dma_wait3A_904 = tpu.memref_slice %dma_wait3A_901[%dma_wait3A_902, %dma_wait3A_903] : memref<64x1024xf32, #tpu.memory_space<hbm>> -> memref<64x1024xf32, #tpu.memory_space<hbm>>
    tpu.wait_indirect_dma semaphore(%arg7 : memref<!tpu.dma_semaphore, #tpu.memory_space<semaphore_mem>>) src(%dma_wait3A_904 : memref<64x1024xf32, #tpu.memory_space<hbm>>) dst(%dma_wait3A_894 : memref<8x1024xf32, #tpu.memory_space<vmem>>)
    %add3A_905 = arith.constant 120 : i32
    %add3A_906 = arith.addi %mul3A_2, %add3A_905 : i32
    %dma_start3A_907 = arith.constant 3 : i32
    %dma_start3A_908 = arith.constant 0 : i32
    %dma_start3A_909 = arith.constant 0 : i32
    %dma_start3A_910 = tpu.memref_slice %arg6[%dma_start3A_907, %dma_start3A_908, %dma_start3A_909] : memref<4x8x1024xf32, #tpu.memory_space<vmem>> -> memref<1x8x1024xf32, #tpu.memory_space<vmem>>
    %dma_start3A_911 = tpu.memref_squeeze %dma_start3A_910 : memref<1x8x1024xf32, #tpu.memory_space<vmem>> -> memref<8x1024xf32, #tpu.memory_space<vmem>>
    %dma_start3A_912 = arith.constant 0 : i32
    %dma_start3A_913 = tpu.memref_slice %arg4[%add3A_906, %dma_start3A_912] : memref<16384x1024xf32, #tpu.memory_space<hbm>> -> memref<8x1024xf32, #tpu.memory_space<hbm>>
    %dma_start3A_914 = arith.constant 0 : i32
    %dma_start3A_915 = tpu.memref_slice %arg4[%add3A_906, %dma_start3A_914] : memref<16384x1024xf32, #tpu.memory_space<hbm>> -> memref<8x1024xf32, #tpu.memory_space<hbm>>
    %dma_start3A_916 = arith.constant 0 : i32
    %dma_start3A_917 = arith.constant 0 : i32
    %dma_start3A_918 = tpu.memref_slice %arg6[%dma_start3A_907, %dma_start3A_916, %dma_start3A_917] : memref<4x8x1024xf32, #tpu.memory_space<vmem>> -> memref<1x8x1024xf32, #tpu.memory_space<vmem>>
    %dma_start3A_919 = tpu.memref_squeeze %dma_start3A_918 : memref<1x8x1024xf32, #tpu.memory_space<vmem>> -> memref<8x1024xf32, #tpu.memory_space<vmem>>
    tpu.enqueue_dma source(%dma_start3A_919 : memref<8x1024xf32, #tpu.memory_space<vmem>>) target(%dma_start3A_915 : memref<8x1024xf32, #tpu.memory_space<hbm>>) target_semaphore(%arg8 : memref<!tpu.dma_semaphore, #tpu.memory_space<semaphore_mem>>)
    %dma_wait3A_920 = arith.constant 0 : i32
    %dma_wait3A_921 = arith.constant 0 : i32
    %dma_wait3A_922 = arith.constant 0 : i32
    %dma_wait3A_923 = tpu.memref_slice %arg6[%dma_wait3A_920, %dma_wait3A_921, %dma_wait3A_922] : memref<4x8x1024xf32, #tpu.memory_space<vmem>> -> memref<1x8x1024xf32, #tpu.memory_space<vmem>>
    %dma_wait3A_924 = tpu.memref_squeeze %dma_wait3A_923 : memref<1x8x1024xf32, #tpu.memory_space<vmem>> -> memref<8x1024xf32, #tpu.memory_space<vmem>>
    %dma_wait3A_925 = arith.constant 0 : i32
    %dma_wait3A_926 = tpu.memref_slice %arg4[%add3A_755, %dma_wait3A_925] : memref<16384x1024xf32, #tpu.memory_space<hbm>> -> memref<8x1024xf32, #tpu.memory_space<hbm>>
    %dma_wait3A_927 = arith.constant 0 : i32
    %dma_wait3A_928 = tpu.memref_slice %arg4[%add3A_755, %dma_wait3A_927] : memref<16384x1024xf32, #tpu.memory_space<hbm>> -> memref<8x1024xf32, #tpu.memory_space<hbm>>
    %dma_wait3A_929 = arith.constant 0 : i32
    %dma_wait3A_930 = arith.constant 0 : i32
    %dma_wait3A_931 = tpu.memref_slice %arg6[%dma_wait3A_920, %dma_wait3A_929, %dma_wait3A_930] : memref<4x8x1024xf32, #tpu.memory_space<vmem>> -> memref<1x8x1024xf32, #tpu.memory_space<vmem>>
    %dma_wait3A_932 = tpu.memref_squeeze %dma_wait3A_931 : memref<1x8x1024xf32, #tpu.memory_space<vmem>> -> memref<8x1024xf32, #tpu.memory_space<vmem>>
    tpu.wait_dma2 semaphore(%arg8 : memref<!tpu.dma_semaphore, #tpu.memory_space<semaphore_mem>>) src(%dma_wait3A_932 : memref<8x1024xf32, #tpu.memory_space<vmem>>) dst(%dma_wait3A_928 : memref<8x1024xf32, #tpu.memory_space<hbm>>)
    %dma_wait3A_933 = arith.constant 1 : i32
    %dma_wait3A_934 = arith.constant 0 : i32
    %dma_wait3A_935 = arith.constant 0 : i32
    %dma_wait3A_936 = tpu.memref_slice %arg6[%dma_wait3A_933, %dma_wait3A_934, %dma_wait3A_935] : memref<4x8x1024xf32, #tpu.memory_space<vmem>> -> memref<1x8x1024xf32, #tpu.memory_space<vmem>>
    %dma_wait3A_937 = tpu.memref_squeeze %dma_wait3A_936 : memref<1x8x1024xf32, #tpu.memory_space<vmem>> -> memref<8x1024xf32, #tpu.memory_space<vmem>>
    %dma_wait3A_938 = arith.constant 0 : i32
    %dma_wait3A_939 = tpu.memref_slice %arg4[%add3A_815, %dma_wait3A_938] : memref<16384x1024xf32, #tpu.memory_space<hbm>> -> memref<8x1024xf32, #tpu.memory_space<hbm>>
    %dma_wait3A_940 = arith.constant 0 : i32
    %dma_wait3A_941 = tpu.memref_slice %arg4[%add3A_815, %dma_wait3A_940] : memref<16384x1024xf32, #tpu.memory_space<hbm>> -> memref<8x1024xf32, #tpu.memory_space<hbm>>
    %dma_wait3A_942 = arith.constant 0 : i32
    %dma_wait3A_943 = arith.constant 0 : i32
    %dma_wait3A_944 = tpu.memref_slice %arg6[%dma_wait3A_933, %dma_wait3A_942, %dma_wait3A_943] : memref<4x8x1024xf32, #tpu.memory_space<vmem>> -> memref<1x8x1024xf32, #tpu.memory_space<vmem>>
    %dma_wait3A_945 = tpu.memref_squeeze %dma_wait3A_944 : memref<1x8x1024xf32, #tpu.memory_space<vmem>> -> memref<8x1024xf32, #tpu.memory_space<vmem>>
    tpu.wait_dma2 semaphore(%arg8 : memref<!tpu.dma_semaphore, #tpu.memory_space<semaphore_mem>>) src(%dma_wait3A_945 : memref<8x1024xf32, #tpu.memory_space<vmem>>) dst(%dma_wait3A_941 : memref<8x1024xf32, #tpu.memory_space<hbm>>)
    %dma_wait3A_946 = arith.constant 2 : i32
    %dma_wait3A_947 = arith.constant 0 : i32
    %dma_wait3A_948 = arith.constant 0 : i32
    %dma_wait3A_949 = tpu.memref_slice %arg6[%dma_wait3A_946, %dma_wait3A_947, %dma_wait3A_948] : memref<4x8x1024xf32, #tpu.memory_space<vmem>> -> memref<1x8x1024xf32, #tpu.memory_space<vmem>>
    %dma_wait3A_950 = tpu.memref_squeeze %dma_wait3A_949 : memref<1x8x1024xf32, #tpu.memory_space<vmem>> -> memref<8x1024xf32, #tpu.memory_space<vmem>>
    %dma_wait3A_951 = arith.constant 0 : i32
    %dma_wait3A_952 = tpu.memref_slice %arg4[%add3A_875, %dma_wait3A_951] : memref<16384x1024xf32, #tpu.memory_space<hbm>> -> memref<8x1024xf32, #tpu.memory_space<hbm>>
    %dma_wait3A_953 = arith.constant 0 : i32
    %dma_wait3A_954 = tpu.memref_slice %arg4[%add3A_875, %dma_wait3A_953] : memref<16384x1024xf32, #tpu.memory_space<hbm>> -> memref<8x1024xf32, #tpu.memory_space<hbm>>
    %dma_wait3A_955 = arith.constant 0 : i32
    %dma_wait3A_956 = arith.constant 0 : i32
    %dma_wait3A_957 = tpu.memref_slice %arg6[%dma_wait3A_946, %dma_wait3A_955, %dma_wait3A_956] : memref<4x8x1024xf32, #tpu.memory_space<vmem>> -> memref<1x8x1024xf32, #tpu.memory_space<vmem>>
    %dma_wait3A_958 = tpu.memref_squeeze %dma_wait3A_957 : memref<1x8x1024xf32, #tpu.memory_space<vmem>> -> memref<8x1024xf32, #tpu.memory_space<vmem>>
    tpu.wait_dma2 semaphore(%arg8 : memref<!tpu.dma_semaphore, #tpu.memory_space<semaphore_mem>>) src(%dma_wait3A_958 : memref<8x1024xf32, #tpu.memory_space<vmem>>) dst(%dma_wait3A_954 : memref<8x1024xf32, #tpu.memory_space<hbm>>)
    %dma_wait3A_959 = arith.constant 3 : i32
    %dma_wait3A_960 = arith.constant 0 : i32
    %dma_wait3A_961 = arith.constant 0 : i32
    %dma_wait3A_962 = tpu.memref_slice %arg6[%dma_wait3A_959, %dma_wait3A_960, %dma_wait3A_961] : memref<4x8x1024xf32, #tpu.memory_space<vmem>> -> memref<1x8x1024xf32, #tpu.memory_space<vmem>>
    %dma_wait3A_963 = tpu.memref_squeeze %dma_wait3A_962 : memref<1x8x1024xf32, #tpu.memory_space<vmem>> -> memref<8x1024xf32, #tpu.memory_space<vmem>>
    %dma_wait3A_964 = arith.constant 0 : i32
    %dma_wait3A_965 = tpu.memref_slice %arg4[%add3A_906, %dma_wait3A_964] : memref<16384x1024xf32, #tpu.memory_space<hbm>> -> memref<8x1024xf32, #tpu.memory_space<hbm>>
    %dma_wait3A_966 = arith.constant 0 : i32
    %dma_wait3A_967 = tpu.memref_slice %arg4[%add3A_906, %dma_wait3A_966] : memref<16384x1024xf32, #tpu.memory_space<hbm>> -> memref<8x1024xf32, #tpu.memory_space<hbm>>
    %dma_wait3A_968 = arith.constant 0 : i32
    %dma_wait3A_969 = arith.constant 0 : i32
    %dma_wait3A_970 = tpu.memref_slice %arg6[%dma_wait3A_959, %dma_wait3A_968, %dma_wait3A_969] : memref<4x8x1024xf32, #tpu.memory_space<vmem>> -> memref<1x8x1024xf32, #tpu.memory_space<vmem>>
    %dma_wait3A_971 = tpu.memref_squeeze %dma_wait3A_970 : memref<1x8x1024xf32, #tpu.memory_space<vmem>> -> memref<8x1024xf32, #tpu.memory_space<vmem>>
    tpu.wait_dma2 semaphore(%arg8 : memref<!tpu.dma_semaphore, #tpu.memory_space<semaphore_mem>>) src(%dma_wait3A_971 : memref<8x1024xf32, #tpu.memory_space<vmem>>) dst(%dma_wait3A_967 : memref<8x1024xf32, #tpu.memory_space<hbm>>)
    return
  }
}

module attributes {stable_mosaic.version = 14 : i64} {
  func.func @_pooler_body(%arg0: memref<2048x1024xf32, #tpu.memory_space<vmem>>, %arg1: memref<1024x64xf32, #tpu.memory_space<vmem>>, %arg2: memref<1x64xf32, #tpu.memory_space<vmem>>, %arg3: memref<1x64xf32, #tpu.memory_space<vmem>>, %arg4: memref<1x64xf32, #tpu.memory_space<vmem>>, %arg5: memref<64x1024xf32, #tpu.memory_space<vmem>>, %arg6: memref<1x1024xf32, #tpu.memory_space<vmem>>, %arg7: memref<1x1024xf32, #tpu.memory_space<vmem>>, %arg8: memref<1x1024xf32, #tpu.memory_space<vmem>>, %arg9: memref<2048x8xi32, #tpu.memory_space<vmem>>, %arg10: memref<16x64x1024xf32, #tpu.memory_space<vmem>>, %arg11: memref<1536x8x64xf32, #tpu.memory_space<vmem>>) attributes {dimension_semantics = [], scalar_prefetch = 0 : i64, scratch_operands = 0 : i64, tpu.core_type = #tpu.core_type<tc>} {
    %get3A = arith.constant 0 : index
    %get3A_0 = arith.constant 0 : index
    %get3A_1 = vector.load %arg0[%get3A, %get3A_0] : memref<2048x1024xf32, #tpu.memory_space<vmem>>, vector<2048x1024xf32>
    %get3A_2 = arith.constant 0 : index
    %get3A_3 = arith.constant 0 : index
    %get3A_4 = vector.load %arg1[%get3A_2, %get3A_3] : memref<1024x64xf32, #tpu.memory_space<vmem>>, vector<1024x64xf32>
    %dot_general3A = arith.constant dense<0.000000e+00> : vector<2048x64xf32>
    %dot_general3A_5 = tpu.matmul %get3A_1, %get3A_4, %dot_general3A {dimension_numbers = #tpu.dot_dimension_numbers<[1], [0], [0], [1], [0, 0, 1, 1], [], []>, transpose_lhs_hint = false} : vector<2048x1024xf32>, vector<1024x64xf32>, vector<2048x64xf32> -> vector<2048x64xf32>
    %get3A_6 = arith.constant 0 : index
    %get3A_7 = arith.constant 0 : index
    %get3A_8 = vector.load %arg2[%get3A_6, %get3A_7] : memref<1x64xf32, #tpu.memory_space<vmem>>, vector<1x64xf32>
    %add3A = vector.broadcast %get3A_8 : vector<1x64xf32> to vector<2048x64xf32>
    %add3A_9 = arith.addf %dot_general3A_5, %add3A : vector<2048x64xf32>
    %max3A = arith.constant 0.000000e+00 : f32
    %max3A_10 = vector.broadcast %max3A : f32 to vector<2048x64xf32>
    %max3A_11 = arith.maximumf %add3A_9, %max3A_10 : vector<2048x64xf32>
    %reduce_sum3A = arith.constant dense<0.000000e+00> : vector<2048xf32>
    %reduce_sum3A_12 = vector.multi_reduction <add>, %max3A_11, %reduce_sum3A [1] : vector<2048x64xf32> to vector<2048xf32>
    %broadcast_in_dim3A = vector.shape_cast %reduce_sum3A_12 : vector<2048xf32> to vector<2048x1xf32>
    %div3A = arith.constant 6.400000e+01 : f32
    %div3A_13 = vector.broadcast %div3A : f32 to vector<2048x1xf32>
    %div3A_14 = arith.divf %broadcast_in_dim3A, %div3A_13 : vector<2048x1xf32>
    %sub3A = vector.broadcast %div3A_14 : vector<2048x1xf32> to vector<2048x64xf32>
    %sub3A_15 = arith.subf %max3A_11, %sub3A : vector<2048x64xf32>
    %square3A = arith.mulf %sub3A_15, %sub3A_15 : vector<2048x64xf32>
    %reduce_sum3A_16 = arith.constant dense<0.000000e+00> : vector<2048xf32>
    %reduce_sum3A_17 = vector.multi_reduction <add>, %square3A, %reduce_sum3A_16 [1] : vector<2048x64xf32> to vector<2048xf32>
    %broadcast_in_dim3A_18 = vector.shape_cast %reduce_sum3A_17 : vector<2048xf32> to vector<2048x1xf32>
    %div3A_19 = arith.constant 6.400000e+01 : f32
    %div3A_20 = vector.broadcast %div3A_19 : f32 to vector<2048x1xf32>
    %div3A_21 = arith.divf %broadcast_in_dim3A_18, %div3A_20 : vector<2048x1xf32>
    %sub3A_22 = vector.broadcast %div3A_14 : vector<2048x1xf32> to vector<2048x64xf32>
    %sub3A_23 = arith.subf %max3A_11, %sub3A_22 : vector<2048x64xf32>
    %add3A_24 = arith.constant 9.99999974E-6 : f32
    %add3A_25 = vector.broadcast %add3A_24 : f32 to vector<2048x1xf32>
    %add3A_26 = arith.addf %div3A_21, %add3A_25 : vector<2048x1xf32>
    %sqrt3A = math.sqrt %add3A_26 : vector<2048x1xf32>
    %div3A_27 = vector.broadcast %sqrt3A : vector<2048x1xf32> to vector<2048x64xf32>
    %div3A_28 = arith.divf %sub3A_23, %div3A_27 : vector<2048x64xf32>
    %get3A_29 = arith.constant 0 : index
    %get3A_30 = arith.constant 0 : index
    %get3A_31 = vector.load %arg3[%get3A_29, %get3A_30] : memref<1x64xf32, #tpu.memory_space<vmem>>, vector<1x64xf32>
    %mul3A = vector.broadcast %get3A_31 : vector<1x64xf32> to vector<2048x64xf32>
    %mul3A_32 = arith.mulf %div3A_28, %mul3A : vector<2048x64xf32>
    %get3A_33 = arith.constant 0 : index
    %get3A_34 = arith.constant 0 : index
    %get3A_35 = vector.load %arg4[%get3A_33, %get3A_34] : memref<1x64xf32, #tpu.memory_space<vmem>>, vector<1x64xf32>
    %add3A_36 = vector.broadcast %get3A_35 : vector<1x64xf32> to vector<2048x64xf32>
    %add3A_37 = arith.addf %mul3A_32, %add3A_36 : vector<2048x64xf32>
    %logistic3A = arith.negf %add3A_37 : vector<2048x64xf32>
    %logistic3A_38 = math.exp %logistic3A : vector<2048x64xf32>
    %logistic3A_39 = arith.constant 1.000000e+00 : f32
    %logistic3A_40 = vector.broadcast %logistic3A_39 : f32 to vector<2048x64xf32>
    %logistic3A_41 = arith.addf %logistic3A_40, %logistic3A_38 : vector<2048x64xf32>
    %logistic3A_42 = arith.divf %logistic3A_40, %logistic3A_41 : vector<2048x64xf32>
    %iota3A = tpu.iota {dimensions = array<i32: 1>} : vector<2048x64xi32>
    %reduce_max3A = arith.constant dense<0xFF800000> : vector<2048xf32>
    %reduce_max3A_43 = vector.multi_reduction <maximumf>, %logistic3A_42, %reduce_max3A [1] : vector<2048x64xf32> to vector<2048xf32>
    %broadcast_in_dim3A_44 = vector.shape_cast %reduce_max3A_43 : vector<2048xf32> to vector<2048x1xf32>
    %eq3A = vector.broadcast %broadcast_in_dim3A_44 : vector<2048x1xf32> to vector<2048x64xf32>
    %eq3A_45 = arith.cmpf oeq, %logistic3A_42, %eq3A : vector<2048x64xf32>
    %jit3A = arith.constant 64 : i32
    %broadcast_in_dim3A_46 = vector.broadcast %jit3A : i32 to vector<2048x64xi32>
    %select_n3A = arith.select %eq3A_45, %iota3A, %broadcast_in_dim3A_46 : vector<2048x64xi1>, vector<2048x64xi32>
    %reduce_min3A = arith.constant dense<2147483647> : vector<2048xi32>
    %reduce_min3A_47 = vector.multi_reduction <minsi>, %select_n3A, %reduce_min3A [1] : vector<2048x64xi32> to vector<2048xi32>
    %broadcast_in_dim3A_48 = vector.shape_cast %reduce_min3A_47 : vector<2048xi32> to vector<2048x1xi32>
    %slice3A = vector.extract_strided_slice %iota3A {offsets = [512, 0], sizes = [1536, 64], strides = [1, 1]} : vector<2048x64xi32> to vector<1536x64xi32>
    %slice3A_49 = vector.extract_strided_slice %broadcast_in_dim3A_48 {offsets = [512, 0], sizes = [1536, 1], strides = [1, 1]} : vector<2048x1xi32> to vector<1536x1xi32>
    %eq3A_50 = vector.broadcast %slice3A_49 : vector<1536x1xi32> to vector<1536x64xi32>
    %eq3A_51 = arith.cmpi eq, %slice3A, %eq3A_50 : vector<1536x64xi32>
    %jit3A_52 = arith.constant 1.000000e+00 : f32
    %jit3A_53 = arith.constant 0.000000e+00 : f32
    %broadcast_in_dim3A_54 = vector.broadcast %jit3A_52 : f32 to vector<1536x64xf32>
    %broadcast_in_dim3A_55 = vector.broadcast %jit3A_53 : f32 to vector<1536x64xf32>
    %select_n3A_56 = arith.select %eq3A_51, %broadcast_in_dim3A_54, %broadcast_in_dim3A_55 : vector<1536x64xi1>, vector<1536x64xf32>
    %swap3A = arith.constant 0 : index
    %swap3A_57 = arith.constant 0 : index
    %swap3A_58 = arith.constant 0 : index
    %swap3A_59 = vector.load %arg11[%swap3A, %swap3A_57, %swap3A_58] : memref<1536x8x64xf32, #tpu.memory_space<vmem>>, vector<1536x1x64xf32>
    %swap3A_60 = vector.shape_cast %swap3A_59 : vector<1536x1x64xf32> to vector<1536x64xf32>
    %swap3A_61 = vector.shape_cast %select_n3A_56 : vector<1536x64xf32> to vector<1536x1x64xf32>
    tpu.vector_store %arg11[%swap3A, %swap3A_57, %swap3A_58], %swap3A_61 {strides = array<i32>} : memref<1536x8x64xf32, #tpu.memory_space<vmem>>, vector<1536x1x64xf32>,
    %eq3A_62 = vector.broadcast %broadcast_in_dim3A_48 : vector<2048x1xi32> to vector<2048x64xi32>
    %eq3A_63 = arith.cmpi eq, %iota3A, %eq3A_62 : vector<2048x64xi32>
    %jit3A_64 = arith.constant -1.000000e+00 : f32
    %broadcast_in_dim3A_65 = vector.broadcast %jit3A_64 : f32 to vector<2048x64xf32>
    %select_n3A_66 = arith.select %eq3A_63, %broadcast_in_dim3A_65, %logistic3A_42 : vector<2048x64xi1>, vector<2048x64xf32>
    %reduce_max3A_67 = arith.constant dense<0xFF800000> : vector<2048xf32>
    %reduce_max3A_68 = vector.multi_reduction <maximumf>, %select_n3A_66, %reduce_max3A_67 [1] : vector<2048x64xf32> to vector<2048xf32>
    %broadcast_in_dim3A_69 = vector.shape_cast %reduce_max3A_68 : vector<2048xf32> to vector<2048x1xf32>
    %eq3A_70 = vector.broadcast %broadcast_in_dim3A_69 : vector<2048x1xf32> to vector<2048x64xf32>
    %eq3A_71 = arith.cmpf oeq, %select_n3A_66, %eq3A_70 : vector<2048x64xf32>
    %jit3A_72 = arith.constant 64 : i32
    %broadcast_in_dim3A_73 = vector.broadcast %jit3A_72 : i32 to vector<2048x64xi32>
    %select_n3A_74 = arith.select %eq3A_71, %iota3A, %broadcast_in_dim3A_73 : vector<2048x64xi1>, vector<2048x64xi32>
    %reduce_min3A_75 = arith.constant dense<2147483647> : vector<2048xi32>
    %reduce_min3A_76 = vector.multi_reduction <minsi>, %select_n3A_74, %reduce_min3A_75 [1] : vector<2048x64xi32> to vector<2048xi32>
    %broadcast_in_dim3A_77 = vector.shape_cast %reduce_min3A_76 : vector<2048xi32> to vector<2048x1xi32>
    %slice3A_78 = vector.extract_strided_slice %iota3A {offsets = [512, 0], sizes = [1536, 64], strides = [1, 1]} : vector<2048x64xi32> to vector<1536x64xi32>
    %slice3A_79 = vector.extract_strided_slice %broadcast_in_dim3A_77 {offsets = [512, 0], sizes = [1536, 1], strides = [1, 1]} : vector<2048x1xi32> to vector<1536x1xi32>
    %eq3A_80 = vector.broadcast %slice3A_79 : vector<1536x1xi32> to vector<1536x64xi32>
    %eq3A_81 = arith.cmpi eq, %slice3A_78, %eq3A_80 : vector<1536x64xi32>
    %jit3A_82 = arith.constant 1.000000e+00 : f32
    %jit3A_83 = arith.constant 0.000000e+00 : f32
    %broadcast_in_dim3A_84 = vector.broadcast %jit3A_82 : f32 to vector<1536x64xf32>
    %broadcast_in_dim3A_85 = vector.broadcast %jit3A_83 : f32 to vector<1536x64xf32>
    %select_n3A_86 = arith.select %eq3A_81, %broadcast_in_dim3A_84, %broadcast_in_dim3A_85 : vector<1536x64xi1>, vector<1536x64xf32>
    %swap3A_87 = arith.constant 0 : index
    %swap3A_88 = arith.constant 1 : index
    %swap3A_89 = arith.constant 0 : index
    %swap3A_90 = vector.load %arg11[%swap3A_87, %swap3A_88, %swap3A_89] : memref<1536x8x64xf32, #tpu.memory_space<vmem>>, vector<1536x1x64xf32>
    %swap3A_91 = vector.shape_cast %swap3A_90 : vector<1536x1x64xf32> to vector<1536x64xf32>
    %swap3A_92 = vector.shape_cast %select_n3A_86 : vector<1536x64xf32> to vector<1536x1x64xf32>
    tpu.vector_store %arg11[%swap3A_87, %swap3A_88, %swap3A_89], %swap3A_92 {strides = array<i32>} : memref<1536x8x64xf32, #tpu.memory_space<vmem>>, vector<1536x1x64xf32>,
    %eq3A_93 = vector.broadcast %broadcast_in_dim3A_77 : vector<2048x1xi32> to vector<2048x64xi32>
    %eq3A_94 = arith.cmpi eq, %iota3A, %eq3A_93 : vector<2048x64xi32>
    %jit3A_95 = arith.constant -1.000000e+00 : f32
    %broadcast_in_dim3A_96 = vector.broadcast %jit3A_95 : f32 to vector<2048x64xf32>
    %select_n3A_97 = arith.select %eq3A_94, %broadcast_in_dim3A_96, %select_n3A_66 : vector<2048x64xi1>, vector<2048x64xf32>
    %reduce_max3A_98 = arith.constant dense<0xFF800000> : vector<2048xf32>
    %reduce_max3A_99 = vector.multi_reduction <maximumf>, %select_n3A_97, %reduce_max3A_98 [1] : vector<2048x64xf32> to vector<2048xf32>
    %broadcast_in_dim3A_100 = vector.shape_cast %reduce_max3A_99 : vector<2048xf32> to vector<2048x1xf32>
    %eq3A_101 = vector.broadcast %broadcast_in_dim3A_100 : vector<2048x1xf32> to vector<2048x64xf32>
    %eq3A_102 = arith.cmpf oeq, %select_n3A_97, %eq3A_101 : vector<2048x64xf32>
    %jit3A_103 = arith.constant 64 : i32
    %broadcast_in_dim3A_104 = vector.broadcast %jit3A_103 : i32 to vector<2048x64xi32>
    %select_n3A_105 = arith.select %eq3A_102, %iota3A, %broadcast_in_dim3A_104 : vector<2048x64xi1>, vector<2048x64xi32>
    %reduce_min3A_106 = arith.constant dense<2147483647> : vector<2048xi32>
    %reduce_min3A_107 = vector.multi_reduction <minsi>, %select_n3A_105, %reduce_min3A_106 [1] : vector<2048x64xi32> to vector<2048xi32>
    %broadcast_in_dim3A_108 = vector.shape_cast %reduce_min3A_107 : vector<2048xi32> to vector<2048x1xi32>
    %slice3A_109 = vector.extract_strided_slice %iota3A {offsets = [512, 0], sizes = [1536, 64], strides = [1, 1]} : vector<2048x64xi32> to vector<1536x64xi32>
    %slice3A_110 = vector.extract_strided_slice %broadcast_in_dim3A_108 {offsets = [512, 0], sizes = [1536, 1], strides = [1, 1]} : vector<2048x1xi32> to vector<1536x1xi32>
    %eq3A_111 = vector.broadcast %slice3A_110 : vector<1536x1xi32> to vector<1536x64xi32>
    %eq3A_112 = arith.cmpi eq, %slice3A_109, %eq3A_111 : vector<1536x64xi32>
    %jit3A_113 = arith.constant 1.000000e+00 : f32
    %jit3A_114 = arith.constant 0.000000e+00 : f32
    %broadcast_in_dim3A_115 = vector.broadcast %jit3A_113 : f32 to vector<1536x64xf32>
    %broadcast_in_dim3A_116 = vector.broadcast %jit3A_114 : f32 to vector<1536x64xf32>
    %select_n3A_117 = arith.select %eq3A_112, %broadcast_in_dim3A_115, %broadcast_in_dim3A_116 : vector<1536x64xi1>, vector<1536x64xf32>
    %swap3A_118 = arith.constant 0 : index
    %swap3A_119 = arith.constant 2 : index
    %swap3A_120 = arith.constant 0 : index
    %swap3A_121 = vector.load %arg11[%swap3A_118, %swap3A_119, %swap3A_120] : memref<1536x8x64xf32, #tpu.memory_space<vmem>>, vector<1536x1x64xf32>
    %swap3A_122 = vector.shape_cast %swap3A_121 : vector<1536x1x64xf32> to vector<1536x64xf32>
    %swap3A_123 = vector.shape_cast %select_n3A_117 : vector<1536x64xf32> to vector<1536x1x64xf32>
    tpu.vector_store %arg11[%swap3A_118, %swap3A_119, %swap3A_120], %swap3A_123 {strides = array<i32>} : memref<1536x8x64xf32, #tpu.memory_space<vmem>>, vector<1536x1x64xf32>,
    %eq3A_124 = vector.broadcast %broadcast_in_dim3A_108 : vector<2048x1xi32> to vector<2048x64xi32>
    %eq3A_125 = arith.cmpi eq, %iota3A, %eq3A_124 : vector<2048x64xi32>
    %jit3A_126 = arith.constant -1.000000e+00 : f32
    %broadcast_in_dim3A_127 = vector.broadcast %jit3A_126 : f32 to vector<2048x64xf32>
    %select_n3A_128 = arith.select %eq3A_125, %broadcast_in_dim3A_127, %select_n3A_97 : vector<2048x64xi1>, vector<2048x64xf32>
    %reduce_max3A_129 = arith.constant dense<0xFF800000> : vector<2048xf32>
    %reduce_max3A_130 = vector.multi_reduction <maximumf>, %select_n3A_128, %reduce_max3A_129 [1] : vector<2048x64xf32> to vector<2048xf32>
    %broadcast_in_dim3A_131 = vector.shape_cast %reduce_max3A_130 : vector<2048xf32> to vector<2048x1xf32>
    %eq3A_132 = vector.broadcast %broadcast_in_dim3A_131 : vector<2048x1xf32> to vector<2048x64xf32>
    %eq3A_133 = arith.cmpf oeq, %select_n3A_128, %eq3A_132 : vector<2048x64xf32>
    %jit3A_134 = arith.constant 64 : i32
    %broadcast_in_dim3A_135 = vector.broadcast %jit3A_134 : i32 to vector<2048x64xi32>
    %select_n3A_136 = arith.select %eq3A_133, %iota3A, %broadcast_in_dim3A_135 : vector<2048x64xi1>, vector<2048x64xi32>
    %reduce_min3A_137 = arith.constant dense<2147483647> : vector<2048xi32>
    %reduce_min3A_138 = vector.multi_reduction <minsi>, %select_n3A_136, %reduce_min3A_137 [1] : vector<2048x64xi32> to vector<2048xi32>
    %broadcast_in_dim3A_139 = vector.shape_cast %reduce_min3A_138 : vector<2048xi32> to vector<2048x1xi32>
    %slice3A_140 = vector.extract_strided_slice %iota3A {offsets = [512, 0], sizes = [1536, 64], strides = [1, 1]} : vector<2048x64xi32> to vector<1536x64xi32>
    %slice3A_141 = vector.extract_strided_slice %broadcast_in_dim3A_139 {offsets = [512, 0], sizes = [1536, 1], strides = [1, 1]} : vector<2048x1xi32> to vector<1536x1xi32>
    %eq3A_142 = vector.broadcast %slice3A_141 : vector<1536x1xi32> to vector<1536x64xi32>
    %eq3A_143 = arith.cmpi eq, %slice3A_140, %eq3A_142 : vector<1536x64xi32>
    %jit3A_144 = arith.constant 1.000000e+00 : f32
    %jit3A_145 = arith.constant 0.000000e+00 : f32
    %broadcast_in_dim3A_146 = vector.broadcast %jit3A_144 : f32 to vector<1536x64xf32>
    %broadcast_in_dim3A_147 = vector.broadcast %jit3A_145 : f32 to vector<1536x64xf32>
    %select_n3A_148 = arith.select %eq3A_143, %broadcast_in_dim3A_146, %broadcast_in_dim3A_147 : vector<1536x64xi1>, vector<1536x64xf32>
    %swap3A_149 = arith.constant 0 : index
    %swap3A_150 = arith.constant 3 : index
    %swap3A_151 = arith.constant 0 : index
    %swap3A_152 = vector.load %arg11[%swap3A_149, %swap3A_150, %swap3A_151] : memref<1536x8x64xf32, #tpu.memory_space<vmem>>, vector<1536x1x64xf32>
    %swap3A_153 = vector.shape_cast %swap3A_152 : vector<1536x1x64xf32> to vector<1536x64xf32>
    %swap3A_154 = vector.shape_cast %select_n3A_148 : vector<1536x64xf32> to vector<1536x1x64xf32>
    tpu.vector_store %arg11[%swap3A_149, %swap3A_150, %swap3A_151], %swap3A_154 {strides = array<i32>} : memref<1536x8x64xf32, #tpu.memory_space<vmem>>, vector<1536x1x64xf32>,
    %eq3A_155 = vector.broadcast %broadcast_in_dim3A_139 : vector<2048x1xi32> to vector<2048x64xi32>
    %eq3A_156 = arith.cmpi eq, %iota3A, %eq3A_155 : vector<2048x64xi32>
    %jit3A_157 = arith.constant -1.000000e+00 : f32
    %broadcast_in_dim3A_158 = vector.broadcast %jit3A_157 : f32 to vector<2048x64xf32>
    %select_n3A_159 = arith.select %eq3A_156, %broadcast_in_dim3A_158, %select_n3A_128 : vector<2048x64xi1>, vector<2048x64xf32>
    %reduce_max3A_160 = arith.constant dense<0xFF800000> : vector<2048xf32>
    %reduce_max3A_161 = vector.multi_reduction <maximumf>, %select_n3A_159, %reduce_max3A_160 [1] : vector<2048x64xf32> to vector<2048xf32>
    %broadcast_in_dim3A_162 = vector.shape_cast %reduce_max3A_161 : vector<2048xf32> to vector<2048x1xf32>
    %eq3A_163 = vector.broadcast %broadcast_in_dim3A_162 : vector<2048x1xf32> to vector<2048x64xf32>
    %eq3A_164 = arith.cmpf oeq, %select_n3A_159, %eq3A_163 : vector<2048x64xf32>
    %jit3A_165 = arith.constant 64 : i32
    %broadcast_in_dim3A_166 = vector.broadcast %jit3A_165 : i32 to vector<2048x64xi32>
    %select_n3A_167 = arith.select %eq3A_164, %iota3A, %broadcast_in_dim3A_166 : vector<2048x64xi1>, vector<2048x64xi32>
    %reduce_min3A_168 = arith.constant dense<2147483647> : vector<2048xi32>
    %reduce_min3A_169 = vector.multi_reduction <minsi>, %select_n3A_167, %reduce_min3A_168 [1] : vector<2048x64xi32> to vector<2048xi32>
    %broadcast_in_dim3A_170 = vector.shape_cast %reduce_min3A_169 : vector<2048xi32> to vector<2048x1xi32>
    %slice3A_171 = vector.extract_strided_slice %iota3A {offsets = [512, 0], sizes = [1536, 64], strides = [1, 1]} : vector<2048x64xi32> to vector<1536x64xi32>
    %slice3A_172 = vector.extract_strided_slice %broadcast_in_dim3A_170 {offsets = [512, 0], sizes = [1536, 1], strides = [1, 1]} : vector<2048x1xi32> to vector<1536x1xi32>
    %eq3A_173 = vector.broadcast %slice3A_172 : vector<1536x1xi32> to vector<1536x64xi32>
    %eq3A_174 = arith.cmpi eq, %slice3A_171, %eq3A_173 : vector<1536x64xi32>
    %jit3A_175 = arith.constant 1.000000e+00 : f32
    %jit3A_176 = arith.constant 0.000000e+00 : f32
    %broadcast_in_dim3A_177 = vector.broadcast %jit3A_175 : f32 to vector<1536x64xf32>
    %broadcast_in_dim3A_178 = vector.broadcast %jit3A_176 : f32 to vector<1536x64xf32>
    %select_n3A_179 = arith.select %eq3A_174, %broadcast_in_dim3A_177, %broadcast_in_dim3A_178 : vector<1536x64xi1>, vector<1536x64xf32>
    %swap3A_180 = arith.constant 0 : index
    %swap3A_181 = arith.constant 4 : index
    %swap3A_182 = arith.constant 0 : index
    %swap3A_183 = vector.load %arg11[%swap3A_180, %swap3A_181, %swap3A_182] : memref<1536x8x64xf32, #tpu.memory_space<vmem>>, vector<1536x1x64xf32>
    %swap3A_184 = vector.shape_cast %swap3A_183 : vector<1536x1x64xf32> to vector<1536x64xf32>
    %swap3A_185 = vector.shape_cast %select_n3A_179 : vector<1536x64xf32> to vector<1536x1x64xf32>
    tpu.vector_store %arg11[%swap3A_180, %swap3A_181, %swap3A_182], %swap3A_185 {strides = array<i32>} : memref<1536x8x64xf32, #tpu.memory_space<vmem>>, vector<1536x1x64xf32>,
    %eq3A_186 = vector.broadcast %broadcast_in_dim3A_170 : vector<2048x1xi32> to vector<2048x64xi32>
    %eq3A_187 = arith.cmpi eq, %iota3A, %eq3A_186 : vector<2048x64xi32>
    %jit3A_188 = arith.constant -1.000000e+00 : f32
    %broadcast_in_dim3A_189 = vector.broadcast %jit3A_188 : f32 to vector<2048x64xf32>
    %select_n3A_190 = arith.select %eq3A_187, %broadcast_in_dim3A_189, %select_n3A_159 : vector<2048x64xi1>, vector<2048x64xf32>
    %reduce_max3A_191 = arith.constant dense<0xFF800000> : vector<2048xf32>
    %reduce_max3A_192 = vector.multi_reduction <maximumf>, %select_n3A_190, %reduce_max3A_191 [1] : vector<2048x64xf32> to vector<2048xf32>
    %broadcast_in_dim3A_193 = vector.shape_cast %reduce_max3A_192 : vector<2048xf32> to vector<2048x1xf32>
    %eq3A_194 = vector.broadcast %broadcast_in_dim3A_193 : vector<2048x1xf32> to vector<2048x64xf32>
    %eq3A_195 = arith.cmpf oeq, %select_n3A_190, %eq3A_194 : vector<2048x64xf32>
    %jit3A_196 = arith.constant 64 : i32
    %broadcast_in_dim3A_197 = vector.broadcast %jit3A_196 : i32 to vector<2048x64xi32>
    %select_n3A_198 = arith.select %eq3A_195, %iota3A, %broadcast_in_dim3A_197 : vector<2048x64xi1>, vector<2048x64xi32>
    %reduce_min3A_199 = arith.constant dense<2147483647> : vector<2048xi32>
    %reduce_min3A_200 = vector.multi_reduction <minsi>, %select_n3A_198, %reduce_min3A_199 [1] : vector<2048x64xi32> to vector<2048xi32>
    %broadcast_in_dim3A_201 = vector.shape_cast %reduce_min3A_200 : vector<2048xi32> to vector<2048x1xi32>
    %slice3A_202 = vector.extract_strided_slice %iota3A {offsets = [512, 0], sizes = [1536, 64], strides = [1, 1]} : vector<2048x64xi32> to vector<1536x64xi32>
    %slice3A_203 = vector.extract_strided_slice %broadcast_in_dim3A_201 {offsets = [512, 0], sizes = [1536, 1], strides = [1, 1]} : vector<2048x1xi32> to vector<1536x1xi32>
    %eq3A_204 = vector.broadcast %slice3A_203 : vector<1536x1xi32> to vector<1536x64xi32>
    %eq3A_205 = arith.cmpi eq, %slice3A_202, %eq3A_204 : vector<1536x64xi32>
    %jit3A_206 = arith.constant 1.000000e+00 : f32
    %jit3A_207 = arith.constant 0.000000e+00 : f32
    %broadcast_in_dim3A_208 = vector.broadcast %jit3A_206 : f32 to vector<1536x64xf32>
    %broadcast_in_dim3A_209 = vector.broadcast %jit3A_207 : f32 to vector<1536x64xf32>
    %select_n3A_210 = arith.select %eq3A_205, %broadcast_in_dim3A_208, %broadcast_in_dim3A_209 : vector<1536x64xi1>, vector<1536x64xf32>
    %swap3A_211 = arith.constant 0 : index
    %swap3A_212 = arith.constant 5 : index
    %swap3A_213 = arith.constant 0 : index
    %swap3A_214 = vector.load %arg11[%swap3A_211, %swap3A_212, %swap3A_213] : memref<1536x8x64xf32, #tpu.memory_space<vmem>>, vector<1536x1x64xf32>
    %swap3A_215 = vector.shape_cast %swap3A_214 : vector<1536x1x64xf32> to vector<1536x64xf32>
    %swap3A_216 = vector.shape_cast %select_n3A_210 : vector<1536x64xf32> to vector<1536x1x64xf32>
    tpu.vector_store %arg11[%swap3A_211, %swap3A_212, %swap3A_213], %swap3A_216 {strides = array<i32>} : memref<1536x8x64xf32, #tpu.memory_space<vmem>>, vector<1536x1x64xf32>,
    %eq3A_217 = vector.broadcast %broadcast_in_dim3A_201 : vector<2048x1xi32> to vector<2048x64xi32>
    %eq3A_218 = arith.cmpi eq, %iota3A, %eq3A_217 : vector<2048x64xi32>
    %jit3A_219 = arith.constant -1.000000e+00 : f32
    %broadcast_in_dim3A_220 = vector.broadcast %jit3A_219 : f32 to vector<2048x64xf32>
    %select_n3A_221 = arith.select %eq3A_218, %broadcast_in_dim3A_220, %select_n3A_190 : vector<2048x64xi1>, vector<2048x64xf32>
    %reduce_max3A_222 = arith.constant dense<0xFF800000> : vector<2048xf32>
    %reduce_max3A_223 = vector.multi_reduction <maximumf>, %select_n3A_221, %reduce_max3A_222 [1] : vector<2048x64xf32> to vector<2048xf32>
    %broadcast_in_dim3A_224 = vector.shape_cast %reduce_max3A_223 : vector<2048xf32> to vector<2048x1xf32>
    %eq3A_225 = vector.broadcast %broadcast_in_dim3A_224 : vector<2048x1xf32> to vector<2048x64xf32>
    %eq3A_226 = arith.cmpf oeq, %select_n3A_221, %eq3A_225 : vector<2048x64xf32>
    %jit3A_227 = arith.constant 64 : i32
    %broadcast_in_dim3A_228 = vector.broadcast %jit3A_227 : i32 to vector<2048x64xi32>
    %select_n3A_229 = arith.select %eq3A_226, %iota3A, %broadcast_in_dim3A_228 : vector<2048x64xi1>, vector<2048x64xi32>
    %reduce_min3A_230 = arith.constant dense<2147483647> : vector<2048xi32>
    %reduce_min3A_231 = vector.multi_reduction <minsi>, %select_n3A_229, %reduce_min3A_230 [1] : vector<2048x64xi32> to vector<2048xi32>
    %broadcast_in_dim3A_232 = vector.shape_cast %reduce_min3A_231 : vector<2048xi32> to vector<2048x1xi32>
    %slice3A_233 = vector.extract_strided_slice %iota3A {offsets = [512, 0], sizes = [1536, 64], strides = [1, 1]} : vector<2048x64xi32> to vector<1536x64xi32>
    %slice3A_234 = vector.extract_strided_slice %broadcast_in_dim3A_232 {offsets = [512, 0], sizes = [1536, 1], strides = [1, 1]} : vector<2048x1xi32> to vector<1536x1xi32>
    %eq3A_235 = vector.broadcast %slice3A_234 : vector<1536x1xi32> to vector<1536x64xi32>
    %eq3A_236 = arith.cmpi eq, %slice3A_233, %eq3A_235 : vector<1536x64xi32>
    %jit3A_237 = arith.constant 1.000000e+00 : f32
    %jit3A_238 = arith.constant 0.000000e+00 : f32
    %broadcast_in_dim3A_239 = vector.broadcast %jit3A_237 : f32 to vector<1536x64xf32>
    %broadcast_in_dim3A_240 = vector.broadcast %jit3A_238 : f32 to vector<1536x64xf32>
    %select_n3A_241 = arith.select %eq3A_236, %broadcast_in_dim3A_239, %broadcast_in_dim3A_240 : vector<1536x64xi1>, vector<1536x64xf32>
    %swap3A_242 = arith.constant 0 : index
    %swap3A_243 = arith.constant 6 : index
    %swap3A_244 = arith.constant 0 : index
    %swap3A_245 = vector.load %arg11[%swap3A_242, %swap3A_243, %swap3A_244] : memref<1536x8x64xf32, #tpu.memory_space<vmem>>, vector<1536x1x64xf32>
    %swap3A_246 = vector.shape_cast %swap3A_245 : vector<1536x1x64xf32> to vector<1536x64xf32>
    %swap3A_247 = vector.shape_cast %select_n3A_241 : vector<1536x64xf32> to vector<1536x1x64xf32>
    tpu.vector_store %arg11[%swap3A_242, %swap3A_243, %swap3A_244], %swap3A_247 {strides = array<i32>} : memref<1536x8x64xf32, #tpu.memory_space<vmem>>, vector<1536x1x64xf32>,
    %eq3A_248 = vector.broadcast %broadcast_in_dim3A_232 : vector<2048x1xi32> to vector<2048x64xi32>
    %eq3A_249 = arith.cmpi eq, %iota3A, %eq3A_248 : vector<2048x64xi32>
    %jit3A_250 = arith.constant -1.000000e+00 : f32
    %broadcast_in_dim3A_251 = vector.broadcast %jit3A_250 : f32 to vector<2048x64xf32>
    %select_n3A_252 = arith.select %eq3A_249, %broadcast_in_dim3A_251, %select_n3A_221 : vector<2048x64xi1>, vector<2048x64xf32>
    %reduce_max3A_253 = arith.constant dense<0xFF800000> : vector<2048xf32>
    %reduce_max3A_254 = vector.multi_reduction <maximumf>, %select_n3A_252, %reduce_max3A_253 [1] : vector<2048x64xf32> to vector<2048xf32>
    %broadcast_in_dim3A_255 = vector.shape_cast %reduce_max3A_254 : vector<2048xf32> to vector<2048x1xf32>
    %eq3A_256 = vector.broadcast %broadcast_in_dim3A_255 : vector<2048x1xf32> to vector<2048x64xf32>
    %eq3A_257 = arith.cmpf oeq, %select_n3A_252, %eq3A_256 : vector<2048x64xf32>
    %jit3A_258 = arith.constant 64 : i32
    %broadcast_in_dim3A_259 = vector.broadcast %jit3A_258 : i32 to vector<2048x64xi32>
    %select_n3A_260 = arith.select %eq3A_257, %iota3A, %broadcast_in_dim3A_259 : vector<2048x64xi1>, vector<2048x64xi32>
    %reduce_min3A_261 = arith.constant dense<2147483647> : vector<2048xi32>
    %reduce_min3A_262 = vector.multi_reduction <minsi>, %select_n3A_260, %reduce_min3A_261 [1] : vector<2048x64xi32> to vector<2048xi32>
    %broadcast_in_dim3A_263 = vector.shape_cast %reduce_min3A_262 : vector<2048xi32> to vector<2048x1xi32>
    %slice3A_264 = vector.extract_strided_slice %iota3A {offsets = [512, 0], sizes = [1536, 64], strides = [1, 1]} : vector<2048x64xi32> to vector<1536x64xi32>
    %slice3A_265 = vector.extract_strided_slice %broadcast_in_dim3A_263 {offsets = [512, 0], sizes = [1536, 1], strides = [1, 1]} : vector<2048x1xi32> to vector<1536x1xi32>
    %eq3A_266 = vector.broadcast %slice3A_265 : vector<1536x1xi32> to vector<1536x64xi32>
    %eq3A_267 = arith.cmpi eq, %slice3A_264, %eq3A_266 : vector<1536x64xi32>
    %jit3A_268 = arith.constant 1.000000e+00 : f32
    %jit3A_269 = arith.constant 0.000000e+00 : f32
    %broadcast_in_dim3A_270 = vector.broadcast %jit3A_268 : f32 to vector<1536x64xf32>
    %broadcast_in_dim3A_271 = vector.broadcast %jit3A_269 : f32 to vector<1536x64xf32>
    %select_n3A_272 = arith.select %eq3A_267, %broadcast_in_dim3A_270, %broadcast_in_dim3A_271 : vector<1536x64xi1>, vector<1536x64xf32>
    %swap3A_273 = arith.constant 0 : index
    %swap3A_274 = arith.constant 7 : index
    %swap3A_275 = arith.constant 0 : index
    %swap3A_276 = vector.load %arg11[%swap3A_273, %swap3A_274, %swap3A_275] : memref<1536x8x64xf32, #tpu.memory_space<vmem>>, vector<1536x1x64xf32>
    %swap3A_277 = vector.shape_cast %swap3A_276 : vector<1536x1x64xf32> to vector<1536x64xf32>
    %swap3A_278 = vector.shape_cast %select_n3A_272 : vector<1536x64xf32> to vector<1536x1x64xf32>
    tpu.vector_store %arg11[%swap3A_273, %swap3A_274, %swap3A_275], %swap3A_278 {strides = array<i32>} : memref<1536x8x64xf32, #tpu.memory_space<vmem>>, vector<1536x1x64xf32>,
    %concatenate3A = tpu.concatenate %broadcast_in_dim3A_48, %broadcast_in_dim3A_77, %broadcast_in_dim3A_108, %broadcast_in_dim3A_139, %broadcast_in_dim3A_170, %broadcast_in_dim3A_201, %broadcast_in_dim3A_232, %broadcast_in_dim3A_263 in 1 : vector<2048x1xi32>, vector<2048x1xi32>, vector<2048x1xi32>, vector<2048x1xi32>, vector<2048x1xi32>, vector<2048x1xi32>, vector<2048x1xi32>, vector<2048x1xi32> -> vector<2048x8xi32>
    %swap3A_279 = arith.constant 0 : index
    %swap3A_280 = arith.constant 0 : index
    %swap3A_281 = vector.load %arg9[%swap3A_279, %swap3A_280] : memref<2048x8xi32, #tpu.memory_space<vmem>>, vector<2048x8xi32>
    tpu.vector_store %arg9[%swap3A_279, %swap3A_280], %concatenate3A {strides = array<i32>} : memref<2048x8xi32, #tpu.memory_space<vmem>>, vector<2048x8xi32>,
    %slice3A_282 = vector.extract_strided_slice %add3A_37 {offsets = [0, 0], sizes = [64, 64], strides = [1, 1]} : vector<2048x64xf32> to vector<64x64xf32>
    %get3A_283 = arith.constant 0 : index
    %get3A_284 = arith.constant 0 : index
    %get3A_285 = vector.load %arg5[%get3A_283, %get3A_284] : memref<64x1024xf32, #tpu.memory_space<vmem>>, vector<64x1024xf32>
    %dot_general3A_286 = arith.constant dense<0.000000e+00> : vector<64x1024xf32>
    %dot_general3A_287 = tpu.matmul %slice3A_282, %get3A_285, %dot_general3A_286 {dimension_numbers = #tpu.dot_dimension_numbers<[1], [0], [0], [1], [0, 0, 1, 1], [], []>, transpose_lhs_hint = false} : vector<64x64xf32>, vector<64x1024xf32>, vector<64x1024xf32> -> vector<64x1024xf32>
    %get3A_288 = arith.constant 0 : index
    %get3A_289 = arith.constant 0 : index
    %get3A_290 = vector.load %arg6[%get3A_288, %get3A_289] : memref<1x1024xf32, #tpu.memory_space<vmem>>, vector<1x1024xf32>
    %add3A_291 = vector.broadcast %get3A_290 : vector<1x1024xf32> to vector<64x1024xf32>
    %add3A_292 = arith.addf %dot_general3A_287, %add3A_291 : vector<64x1024xf32>
    %max3A_293 = arith.constant 0.000000e+00 : f32
    %max3A_294 = vector.broadcast %max3A_293 : f32 to vector<64x1024xf32>
    %max3A_295 = arith.maximumf %add3A_292, %max3A_294 : vector<64x1024xf32>
    %reduce_sum3A_296 = arith.constant dense<0.000000e+00> : vector<64xf32>
    %reduce_sum3A_297 = vector.multi_reduction <add>, %max3A_295, %reduce_sum3A_296 [1] : vector<64x1024xf32> to vector<64xf32>
    %broadcast_in_dim3A_298 = vector.shape_cast %reduce_sum3A_297 : vector<64xf32> to vector<64x1xf32>
    %div3A_299 = arith.constant 1.024000e+03 : f32
    %div3A_300 = vector.broadcast %div3A_299 : f32 to vector<64x1xf32>
    %div3A_301 = arith.divf %broadcast_in_dim3A_298, %div3A_300 : vector<64x1xf32>
    %sub3A_302 = vector.broadcast %div3A_301 : vector<64x1xf32> to vector<64x1024xf32>
    %sub3A_303 = arith.subf %max3A_295, %sub3A_302 : vector<64x1024xf32>
    %square3A_304 = arith.mulf %sub3A_303, %sub3A_303 : vector<64x1024xf32>
    %reduce_sum3A_305 = arith.constant dense<0.000000e+00> : vector<64xf32>
    %reduce_sum3A_306 = vector.multi_reduction <add>, %square3A_304, %reduce_sum3A_305 [1] : vector<64x1024xf32> to vector<64xf32>
    %broadcast_in_dim3A_307 = vector.shape_cast %reduce_sum3A_306 : vector<64xf32> to vector<64x1xf32>
    %div3A_308 = arith.constant 1.024000e+03 : f32
    %div3A_309 = vector.broadcast %div3A_308 : f32 to vector<64x1xf32>
    %div3A_310 = arith.divf %broadcast_in_dim3A_307, %div3A_309 : vector<64x1xf32>
    %sub3A_311 = vector.broadcast %div3A_301 : vector<64x1xf32> to vector<64x1024xf32>
    %sub3A_312 = arith.subf %max3A_295, %sub3A_311 : vector<64x1024xf32>
    %add3A_313 = arith.constant 9.99999974E-6 : f32
    %add3A_314 = vector.broadcast %add3A_313 : f32 to vector<64x1xf32>
    %add3A_315 = arith.addf %div3A_310, %add3A_314 : vector<64x1xf32>
    %sqrt3A_316 = math.sqrt %add3A_315 : vector<64x1xf32>
    %div3A_317 = vector.broadcast %sqrt3A_316 : vector<64x1xf32> to vector<64x1024xf32>
    %div3A_318 = arith.divf %sub3A_312, %div3A_317 : vector<64x1024xf32>
    %get3A_319 = arith.constant 0 : index
    %get3A_320 = arith.constant 0 : index
    %get3A_321 = vector.load %arg7[%get3A_319, %get3A_320] : memref<1x1024xf32, #tpu.memory_space<vmem>>, vector<1x1024xf32>
    %mul3A_322 = vector.broadcast %get3A_321 : vector<1x1024xf32> to vector<64x1024xf32>
    %mul3A_323 = arith.mulf %div3A_318, %mul3A_322 : vector<64x1024xf32>
    %get3A_324 = arith.constant 0 : index
    %get3A_325 = arith.constant 0 : index
    %get3A_326 = vector.load %arg8[%get3A_324, %get3A_325] : memref<1x1024xf32, #tpu.memory_space<vmem>>, vector<1x1024xf32>
    %add3A_327 = vector.broadcast %get3A_326 : vector<1x1024xf32> to vector<64x1024xf32>
    %add3A_328 = arith.addf %mul3A_323, %add3A_327 : vector<64x1024xf32>
    %broadcast_in_dim3A_329 = vector.shape_cast %add3A_328 : vector<64x1024xf32> to vector<1x64x1024xf32>
    %broadcast_in_dim3A_330 = vector.shape_cast %broadcast_in_dim3A_329 : vector<1x64x1024xf32> to vector<1x64x1024xf32>
    %broadcast_in_dim3A_331 = vector.broadcast %broadcast_in_dim3A_330 : vector<1x64x1024xf32> to vector<16x64x1024xf32>
    %swap3A_332 = arith.constant 0 : index
    %swap3A_333 = arith.constant 0 : index
    %swap3A_334 = arith.constant 0 : index
    %swap3A_335 = vector.load %arg10[%swap3A_332, %swap3A_333, %swap3A_334] : memref<16x64x1024xf32, #tpu.memory_space<vmem>>, vector<16x64x1024xf32>
    tpu.vector_store %arg10[%swap3A_332, %swap3A_333, %swap3A_334], %broadcast_in_dim3A_331 {strides = array<i32>} : memref<16x64x1024xf32, #tpu.memory_space<vmem>>, vector<16x64x1024xf32>,
    return
  }
}

module attributes {stable_mosaic.version = 14 : i64} {
  func.func @_expand_body(%arg0: i32, %arg1: memref<2048x64xf32, #tpu.memory_space<vmem>>, %arg2: memref<1x64x1024xf32, #tpu.memory_space<vmem>>, %arg3: memref<16384x1024xf32, #tpu.memory_space<any>>, %arg4: memref<2048x1024xf32, #tpu.memory_space<vmem>>) attributes {dimension_semantics = [#tpu.dimension_semantics<arbitrary>], iteration_bounds = array<i64: 6>, scalar_prefetch = 0 : i64, scratch_operands = 0 : i64, tpu.core_type = #tpu.core_type<tc>, window_params = [{transform_indices = @transform_0, window_bounds = array<i64: 2048, 64>}, {transform_indices = @transform_1, window_bounds = array<i64: 1, 64, 1024>}, {}, {transform_indices = @transform_3, window_bounds = array<i64: 2048, 1024>}]} {
    %get3A = arith.constant 0 : index
    %get3A_0 = arith.constant 0 : index
    %get3A_1 = vector.load %arg1[%get3A, %get3A_0] : memref<2048x64xf32, #tpu.memory_space<vmem>>, vector<2048x64xf32>
    %get3A_2 = arith.constant 0 : index
    %get3A_3 = arith.constant 0 : index
    %get3A_4 = arith.constant 0 : index
    %get3A_5 = vector.load %arg2[%get3A_2, %get3A_3, %get3A_4] : memref<1x64x1024xf32, #tpu.memory_space<vmem>>, vector<1x64x1024xf32>
    %get3A_6 = vector.shape_cast %get3A_5 : vector<1x64x1024xf32> to vector<64x1024xf32>
    %dot_general3A = arith.constant dense<0.000000e+00> : vector<2048x1024xf32>
    %dot_general3A_7 = tpu.matmul %get3A_1, %get3A_6, %dot_general3A {dimension_numbers = #tpu.dot_dimension_numbers<[1], [0], [0], [1], [0, 0, 1, 1], [], []>, transpose_lhs_hint = false} : vector<2048x64xf32>, vector<64x1024xf32>, vector<2048x1024xf32> -> vector<2048x1024xf32>
    %swap3A = arith.constant 0 : index
    %swap3A_8 = arith.constant 0 : index
    %swap3A_9 = vector.load %arg4[%swap3A, %swap3A_8] : memref<2048x1024xf32, #tpu.memory_space<vmem>>, vector<2048x1024xf32>
    tpu.vector_store %arg4[%swap3A, %swap3A_8], %dot_general3A_7 {strides = array<i32>} : memref<2048x1024xf32, #tpu.memory_space<vmem>>, vector<2048x1024xf32>,
    return
  }
  func.func @transform_0(%arg0: i32) -> (i32, i32) {
    %c0_i32 = arith.constant 0 : i32
    %c0_i32_0 = arith.constant 0 : i32
    return %arg0, %c0_i32 : i32, i32
  }
  func.func @transform_1(%arg0: i32) -> (i32, i32, i32) {
    %c0_i32 = arith.constant 0 : i32
    %c0_i32_0 = arith.constant 0 : i32
    %c0_i32_1 = arith.constant 0 : i32
    %c0_i32_2 = arith.constant 0 : i32
    return %c0_i32, %c0_i32_0, %c0_i32_1 : i32, i32, i32
  }
  func.func @transform_3(%arg0: i32) -> (i32, i32) {
    %add3A = arith.constant 2 : i32
    %add3A_0 = arith.addi %add3A, %arg0 : i32
    %c0_i32 = arith.constant 0 : i32
    %c0_i32_1 = arith.constant 0 : i32
    return %add3A_0, %c0_i32 : i32, i32
  }
}

</mosaic_0001>

<sc_bundles>
// kernel: kernel.5.cloned.1.call-start
scs
__scs_entry_jumppad:
0x0: {  	(pc) =	sbr.rel $0x88, $3  }
0x1: {  	(tag) =	ssettag $0x0;
	lr =	simm.s32 $0x1  }
0x2: {  	[smem:$0x3F98] =	sst lr;
	_ =	strace $0xD0000000  }
0x3: {  	_ = 	snop  }
0x4: {  	_ = 	snop  }
0x5: {  	_ = 	snop  }
0x6: {  	_ = 	snop  }
0x7: {  	_ = 	snop  }
__scs_overlays_trampoline_lowered:
0x8: {  	[smem:$0x3FA7] =	sst s0  }
0x9: {  	[smem:$0x3FA8] =	sst s1  }
0xa: {  	[smem:$0x3FA9] =	sst s2  }
0xb: {  	[smem:$0x3FAA] =	sst s3  }
0xc: {  	[smem:$0x3FAB] =	sst s4  }
0xd: {  	[smem:$0x3FAC] =	sst s5  }
0xe: {  	[smem:$0x3FAD] =	sst s6  }
0xf: {  	[smem:$0x3FAE] =	sst s7  }
0x10: {  	[smem:$0x3FAF] =	sst s8  }
0x11: {  	[smem:$0x3FB0] =	sst s9;
	s0 =	simm.s32 @!p0 $0x0  }
0x12: {  	s1 =	sld [smem:$0x3F96];
	s0 =	simm.s32 @p0 $0x1  }
0x13: {  	[smem:$0x3FB1] =	sst s0;
	s0 =	simm.s32 @!p1 $0x0  }
0x14: {  	s2 =	sld [smem:$0x3F95];
	s0 =	simm.s32 @p1 $0x1  }
0x15: {  	[smem:$0x3FB2] =	sst s0;
	s0 =	simm.s32 @!p2 $0x0  }
0x16: {  	s3 =	sld [smem:$0x3FDB];
	s0 =	simm.s32 @p2 $0x1  }
0x17: {  	s4 =	simm.s32 $0x1BF5;
	[smem:$0x3FB4] =	sst s0  }
0x18: {  	s0 =	sld [smem:$0x3F97];
	_ =	swait.ge [sflag:s4], $0x0  }
0x19: {  	s7 =	sld [smem:$0x3F98]  }
0x1a: {  	s8 =	sadd.s32 $0xFFFFE003, lr  }
0x1b: {  	s9 =	sadd.s32 $0xFFFFFEF7, lr;
	s5 =	simm.s32 $0xFFFFFFFF;
	p2 =	slt.u32 s8, $0xFFFFF086  }
0x1c: {  	p1 =	slt.u32 s9, $0xF7A;
	s5 =	simm.s32 @!p2 $0x0  }
0x1d: {  	s5 =	simm.s32 @p1 $0x1;
	p0 =	seq.s32 s7, s2  }
0x1e: {  	s7 =	smul.u32 @!p0 $0xF7A, s2;
	p2 =	seq.s32 @!p0 s5, $0x0  }
0x1f: {  	s9 =	smul.u32 $0xF7A, s1;
	s8 =	simm.s32 @!p0 $0x1BF5;
	p2 =	por !p2, p0  }
0x20: {  	[sflag:s8] =	ssyncset.s32 @!p0 $0xFFFFF086;
	s6 =	sadd.s32 @!p0 s3, s7;
	s7 =	simm.s32 @!p0 $0x108  }
0x21: {  	s3 =	sadd.s32 s3, s9;
	s6 =	sadd.s32 @!p0 $0x88, s6;
	s7 =	simm.s32 @p2 $0x1082  }
0x22: {  	[simem:s7], [sflag:s8] =	dma.local @!p0 [hbm:s6], $0xF7A  }
0x23: {  	s9 =	sor.u32 $0xD0000000, s2;
	s6 =	simm.s32 $0x108;
	_ =	swait.ge @!p0 [sflag:s8], $0x0  }
0x24: {  	s3 =	sadd.s32 $0x88, s3;
	s6 =	simm.s32 @!p1 $0x1082;
	[sflag:s4] =	ssyncset.s32 $0xFFFFF086  }
0x25: {  	[simem:s6], [sflag:s4] =	dma.local [hbm:s3], $0xF7A  }
0x26: {  	[smem:$0x3F98] =	sst s1;
	(tag) =	ssettag s2;
	_ =	strace s9  }
0x27: {  	s1 =	sld [smem:$0x3FA8]  }
0x28: {  	s2 =	sld [smem:$0x3FA9]  }
0x29: {  	s4 =	sld [smem:$0x3FAB]  }
0x2a: {  	p0 =	seq.s32 s5, $0x0;
	s5 =	sld [smem:$0x3FAC]  }
0x2b: {  	s6 =	sld [smem:$0x3FAD]  }
0x2c: {  	s7 =	sld [smem:$0x3FAE]  }
0x2d: {  	s3 =	simm.s32 $0x108;
	s8 =	sld [smem:$0x3FAF]  }
0x2e: {  	s3 =	simm.s32 @!p0 $0x1082;
	s9 =	sld [smem:$0x3FB0]  }
0x2f: {  	lr =	sadd.s32 s0, s3;
	s0 =	sld [smem:$0x3FA7]  }
0x30: {  	s3 =	sld [smem:$0x3FAA]  }
0x31: {  	[smem:$0x3FB3] =	sst s10  }
0x32: {  	s10 =	sld [smem:$0x3FB1];
	_ =	sdelay $0x3  }
0x33: {  	p0 =	seq.s32 s10, $0x1;
	s10 =	sld [smem:$0x3FB3];
	_ =	sdelay $0x3  }
0x34: {  	[smem:$0x3FB3] =	sst s10  }
0x35: {  	s10 =	sld [smem:$0x3FB2];
	_ =	sdelay $0x3  }
0x36: {  	p1 =	seq.s32 s10, $0x1;
	s10 =	sld [smem:$0x3FB3];
	_ =	sdelay $0x3  }
0x37: {  	[smem:$0x3FB3] =	sst s10  }
0x38: {  	s10 =	sld [smem:$0x3FB4]  }
0x39: {  	_ = 	snop;
	(pc) =	sbr.ind lr, $3  }
0x3a: {  	_ = 	snop  }
0x3b: {  	_ = 	snop  }
0x3c: {  	p2 =	seq.s32 s10, $0x1;
	s10 =	sld [smem:$0x3FB3]  }
0x3d: {  	_ =	shalt  }
0x3e: {  	_ =	shalt  }
0x3f: {  	_ =	shalt  }
0x40: {  	_ =	shalt  }
0x41: {  	_ =	shalt  }
0x42: {  	_ =	shalt  }
0x43: {  	_ =	shalt  }
0x44: {  	_ =	shalt  }
0x45: {  	_ =	shalt  }
0x46: {  	_ =	shalt  }
0x47: {  	_ =	shalt  }
0x48: {  	_ =	shalt  }
0x49: {  	_ =	shalt  }
0x4a: {  	_ =	shalt  }
0x4b: {  	_ =	shalt  }
0x4c: {  	_ =	shalt  }
0x4d: {  	_ =	shalt  }
0x4e: {  	_ =	shalt  }
0x4f: {  	_ =	shalt  }
0x50: {  	_ =	shalt  }
0x51: {  	_ =	shalt  }
0x52: {  	_ =	shalt  }
0x53: {  	_ =	shalt  }
0x54: {  	_ =	shalt  }
0x55: {  	_ =	shalt  }
0x56: {  	_ =	shalt  }
0x57: {  	_ =	shalt  }
0x58: {  	_ =	shalt  }
0x59: {  	_ =	shalt  }
0x5a: {  	_ =	shalt  }
0x5b: {  	_ =	shalt  }
0x5c: {  	_ =	shalt  }
0x5d: {  	_ =	shalt  }
0x5e: {  	_ =	shalt  }
0x5f: {  	_ =	shalt  }
0x60: {  	_ =	shalt  }
0x61: {  	_ =	shalt  }
0x62: {  	_ =	shalt  }
0x63: {  	_ =	shalt  }
0x64: {  	_ =	shalt  }
0x65: {  	_ =	shalt  }
0x66: {  	_ =	shalt  }
0x67: {  	_ =	shalt  }
0x68: {  	_ =	shalt  }
0x69: {  	_ =	shalt  }
0x6a: {  	_ =	shalt  }
0x6b: {  	_ =	shalt  }
0x6c: {  	_ =	shalt  }
0x6d: {  	_ =	shalt  }
0x6e: {  	_ =	shalt  }
0x6f: {  	_ =	shalt  }
0x70: {  	_ =	shalt  }
0x71: {  	_ =	shalt  }
0x72: {  	_ =	shalt  }
0x73: {  	_ =	shalt  }
0x74: {  	_ =	shalt  }
0x75: {  	_ =	shalt  }
0x76: {  	_ =	shalt  }
0x77: {  	_ =	shalt  }
0x78: {  	_ =	shalt  }
0x79: {  	_ =	shalt  }
0x7a: {  	_ =	shalt  }
0x7b: {  	_ =	shalt  }
0x7c: {  	_ =	shalt  }
0x7d: {  	_ =	shalt  }
0x7e: {  	_ =	shalt  }
0x7f: {  	_ =	shalt  }
0x80: {  	_ =	shalt  }
0x81: {  	_ =	shalt  }
0x82: {  	_ =	shalt  }
0x83: {  	_ =	shalt  }
0x84: {  	_ =	shalt  }
0x85: {  	_ =	shalt  }
0x86: {  	_ =	shalt  }
0x87: {  	_ =	shalt  }
.Lfunc_end0:
.L_simem_size_0:
called_computation_lowered:
.L_overlay_start_0:
0x88: {  	s2 =	sld [smem:$0x3FD9]  }
0x89: {  	s3 =	sld [smem:$0x3FFE];
	_ =	sdelay $0x1  }
0x8a: {  	s1 =	srdreg.scid  }
0x8b: {  	s0 =	sand.u32 $0x1, s1  }
0x8c: {  	s17 =	sshll.u32 s0, $0xA;
	s2 =	sadd.s32 s3, s2  }
0x8d: {  	s2 =	sadd.s32 s2, s17  }
0x8e: {  	[smem:$0x3FBF] =	sst s2  }
0x8f: {  	_ = 	snop  }
0x90: {  	s2 =	sld [smem:$0x3FD0];
	(tm) =	ssettm $0x1  }
0x91: {  	s18 =	sld [smem:$0x3FFB];
	_ =	sdelay $0x3  }
0x92: {  	_ =	strace s18  }
0x93: {  	s3 =	sld [smem:$0x3FFC];
	_ =	sdelay $0x3  }
0x94: {  	_ =	strace s3  }
0x95: {  	s3 =	sld [smem:$0x3FFD];
	_ =	sdelay $0x3  }
0x96: {  	_ =	strace s3  }
0x97: {  	_ =	strace $0x8FFFFFFF  }
0x98: {  	s19 =	sld [smem:$0x3FDB];
	_ =	sdelay $0x1  }
0x99: {  	s4 =	simm.s32 $_scs_section_size  }
0x9a: {  	s5 =	simm.s32 $_size__tile_overlayer_lowered;
	s6 =	simm.s32 $_tile_overlayer_lowered  }
0x9b: {  	s22 =	simm.s32 $0x1BFF;
	s21 =	sshll.u32 s6, $0x1;
	s3 =	sadd.s32 s4, s19  }
0x9c: {  	s7 =	simm.s32 $0x0;
	s20 =	sshll.u32 s5, $0x1;
	s5 =	sadd.s32 s21, s3  }
0x9d: {  	[timem:s7], [sflag:s22] =	dma.local [hbm:s5], s20  }
0x9e: {  	_ =	swait.ge [sflag:s22], s20  }
0x9f: {  	s4 =	ssub.s32 $0x0, s20;
	[sflag:s22] =	ssyncset.done $0x0  }
0xa0: {  	[sflag:s22] =	ssyncadd.s32 s4;
	_ =	sdelay $0x1  }
0xa1: {  	s23 =	simm.s32 $0x1B8B  }
0xa2: {  	_ =	swait.ge [sflag:s23], $0x1  }
0xa3: {  	[sflag:s23] =	ssyncset.done $0x0  }
0xa4: {  	s25 =	simm.s32 $0x1B8E;
	s24 =	sld [smem:$0x3FFE];
	[sflag:s23] =	ssyncadd.s32 $0xFFFFFFFF  }
0xa5: {  	s26 =	simm.s32 $execute0_lowered;
	[smem:$0x3FD2] =	sst s25  }
0xa6: {  	s5 =	sshll.u32 s26, $0x1;
	_ =	strace $0x80000046;
	[dreg:$0x1] =	wrdreg $0xFFFFFFFF  }
0xa7: {  	s28 =	simm.s32 $_size_execute0_lowered;
	s3 =	sadd.s32 s3, s5;
	[dreg:$0x0] =	wrdreg $0x0  }
0xa8: {  	s5 =	sshll.u32 s28, $0x1;
	[dreg:$0x2] =	wrdreg s3  }
0xa9: {  	[dreg:$0x3] =	wrdreg s5  }
0xaa: {  	[dreg:$0x4] =	wrdreg $0xC0  }
0xab: {  	_ =	task [dreg:s7], $0x5FFFF  }
0xac: {  	[dreg:$0x1] =	wrdreg $0xFFFFFFFF  }
0xad: {  	[dreg:$0x0] =	wrdreg $0x60  }
0xae: {  	[dreg:$0x2] =	wrdreg s24  }
0xaf: {  	[dreg:$0x3] =	wrdreg s2  }
0xb0: {  	[dreg:$0x4] =	wrdreg $0x9  }
0xb1: {  	_ =	task.clear_ibuf [dreg:s7], $0x5FFFF;
	_ =	strace $0x90000046  }
0xb2: {  	s29 =	simm.s32 $0x9;
	_ =	strace $0x80000048  }
0xb3: {  	_ =	swait.ge [sflag:s29], $0x1  }
0xb4: {  	[sflag:s29] =	ssyncadd.s32 $0xFFFFFFFF  }
0xb5: {  	_ =	strace $0x90000048  }
0xb6: {  	_ =	sfence  }
0xb7: {  	s30 =	sld [smem:$0x0];
	_ =	sdelay $0x2  }
0xb8: {  	s31 =	sshll.u32 s1, $0xD;
	s1 =	sshrl.u32 s1, $0x2  }
0xb9: {  	s3 =	sand.u32 $0x4000, s31;
	s1 =	sadd.s32 s1, s30  }
0xba: {  	s0 =	sor.u32 s3, s0;
	s1 =	sshll.u32 s1, $0x11  }
0xbb: {  	s0 =	sor.u32 s1, s0  }
0xbc: {  	s0 =	sadd.s32 $0x8F2B, s0  }
0xbd: {  	[sflag:s0] =	ssyncadd.remote.s32 $0x1  }
0xbe: {  	_ =	sfence.sel $0xFFFF  }
0xbf: {  	[dreg:$0x0] =	wrdreg $0xFFFFFFFF;
	(pc) =	sbr.abs _section_cstart, $3  }
0xc0: {  	[dreg:$0x1] =	wrdreg $0xFFFFFFFF  }
0xc1: {  	_ =	task.clear_ibuf [dreg:s7], $0x2FFFF;
	_ =	strace $0x9FFFFFFF  }
0xc2: {  	(tm) =	ssettm $0x7FFFFFFF  }
0xc3: {  	_ =	shalt  }
tec
execute0_lowered:
.L_overlay_start_1:
0x0: {  	(tag) =	ssettag $0x1  }
0x1: {  	s1 =	srdreg.scid;
	s4 =	rddreg [dreg:$0x0]  }
0x2: {  	s0 =	stileid.u32;
	s3 =	rddreg [dreg:$0x1];
	s10 =	simm.s32 $0x3  }
0x3: {  	s11 =	simm.s32 $0x800;
	s13 =	simm.s32 $0x1000;
	s28 =	simm.s32 $0x7000  }
0x4: {  	s29 =	simm.s32 $0x7800;
	s1 =	sand.u32 $0x1, s1;
	s2 =	sshll.u32 s0, $0x1  }
0x5: {  	s30 =	simm.s32 $0x8000;
	s31 =	simm.s32 $0x2;
	s5 =	sor.u32 s1, s2  }
0x6: {  	s2 =	simm.s32 $0x0;
	s1 =	ssub.s32 $0x2, s1;
	s6 =	sshll.u32 s5, $0x8  }
0x7: {  	[smem:$0x7FF] =	sst s2;
	s7 =	sshll.u32 s5, $0xE;
	s6 =	sadd.s32 s6, s4  }
0x8: {  	s5 =	sshll.u32 s5, $0xD;
	s3 =	sadd.s32 s3, s7;
	s6 =	sadd.s32 $0x21C00, s6  }
0x9: {  	_ =	strace $0x80000047;
	s15 =	sadd.s32 $0x400, s3;
	[dreg:$0x3] =	wrdreg s6  }
0xa: {  	s23 =	sshrl.u32 s1, $0x1;
	s16 =	sadd.s32 $0x800, s3;
	[dreg:$0x4] =	wrdreg s15  }
0xb: {  	s5 =	sand.u32 $0x1E000, s5;
	s17 =	sadd.s32 $0xC00, s3;
	[dreg:$0x5] =	wrdreg s16  }
0xc: {  	s1 =	ssub.s32 s1, s23;
	s18 =	sadd.s32 $0x1000, s3;
	[dreg:$0x6] =	wrdreg s17  }
0xd: {  	s23 =	simm.s32 $0x5000;
	s19 =	sadd.s32 $0x1400, s3;
	[dreg:$0x7] =	wrdreg s18  }
0xe: {  	s20 =	sadd.s32 $0x1800, s3;
	s4 =	sadd.s32 s5, s4;
	[dreg:$0x8] =	wrdreg s19  }
0xf: {  	s21 =	sadd.s32 $0x1C00, s3;
	s22 =	sadd.s32 $0x2000, s3;
	[dreg:$0x9] =	wrdreg s20  }
0x10: {  	s24 =	sadd.s32 $0x2400, s3;
	s25 =	sadd.s32 $0x2800, s3;
	[dreg:$0xa] =	wrdreg s21  }
0x11: {  	s26 =	sadd.s32 $0x2C00, s3;
	s5 =	sadd.s32 $0x3000, s3;
	[dreg:$0xb] =	wrdreg s22  }
0x12: {  	s7 =	sadd.s32 $0x3800, s3;
	s8 =	sadd.s32 $0x3C00, s3;
	[dreg:$0xc] =	wrdreg s24  }
0x13: {  	s9 =	smax.u32 s1, $0x1;
	s4 =	sadd.s32 $0x1C00, s4;
	[dreg:$0xd] =	wrdreg s25  }
0x14: {  	[dreg:$0xe] =	wrdreg s26;
	s6 =	sadd.s32 $0x3400, s3;
	s15 =	simm.s32 $0x1800  }
0x15: {  	s16 =	simm.s32 $0x2000;
	s17 =	simm.s32 $0x2800;
	s18 =	simm.s32 $0x3000  }
0x16: {  	v0 =	vlaneseq.u32;
	s19 =	simm.s32 $0x3800;
	s20 =	simm.s32 $0x4000;
	s21 =	simm.s32 $0x1  }
0x17: {  	v1 =	vshrl.u32 v0, $0x3;
	s22 =	simm.s32 $0x4800;
	s24 =	simm.s32 $0x5800;
	s25 =	simm.s32 $0x6000  }
0x18: {  	vm0 =	vmmov $0xffff;
	v0 =	vand.u32 $0x7, v0;
	v1 =	vmul.u32 $0x8, v1;
	s26 =	simm.s32 $0x6800;
	s12 =	sadd.s32 $0x100, s4;
	s14 =	sadd.s32 $0x200, s4  }
.LBB2_1:
0x19: {  	s1 =	rddreg [dreg:$0x3]  }
0x1a: {  	[tilespmem:s2], [sflag:$0x3] =	stream.linear.gather [hbm4b:s1+s2], $0x800, $0x38;
	[tilespmem:$0x8800] =	vst v63  }
0x1b: {  	_ =	swait.ge [sflag:s10], $0x800  }
0x1c: {  	[sflag:s10] =	ssyncset.done $0x0  }
0x1d: {  	[sflag:s10] =	ssyncadd.s32 $0xFFFFF800  }
0x1e: {  	v2 =	vld.msk [tilespmem:$0x0], $0xff;
	_ =	sdelay $0x4  }
0x1f: {  	v3 =	vshll.u32 v2, $0x3  }
0x20: {  	v2 =	vand.u32 $0x7, v2;
	v3 =	vand.u32 $0xFFFFFFC0, v3  }
0x21: {  	v2 =	vor.u32 v2, v3  }
0x22: {  	v2 =	vperm.xlane v2, v0;
	_ =	sdelay $0x1  }
0x23: {  	v2 =	vadd.s32 v1, v2;
	_ =	sdelay $0x4  }
0x24: {  	[tilespmem:s11], [sflag:$0x1] =	stream.indirect_vreg.gather [hbm4b:s4+s2], $0x80, v2, vm0, $0xb8;
	[tilespmem:$0x8800] =	vst v63  }
0x25: {  	_ = 	snop  }
0x26: {  	[tilespmem:s13], [sflag:$0x1] =	stream.indirect_vreg.gather [hbm4b:s12+s2], $0x80, v2, vm0, $0xb8;
	[tilespmem:$0x8800] =	vst v63  }
0x27: {  	_ = 	snop  }
0x28: {  	[tilespmem:s15], [sflag:$0x1] =	stream.indirect_vreg.gather [hbm4b:s14+s2], $0x80, v2, vm0, $0xb8;
	[tilespmem:$0x8800] =	vst v63  }
0x29: {  	s1 =	sadd.s32 $0x300, s4  }
0x2a: {  	[tilespmem:s16], [sflag:$0x1] =	stream.indirect_vreg.gather [hbm4b:s1+s2], $0x80, v2, vm0, $0xb8;
	[tilespmem:$0x8800] =	vst v63  }
0x2b: {  	v2 =	vld.msk [tilespmem:$0x80], $0xff;
	_ =	sdelay $0x4  }
0x2c: {  	v3 =	vshll.u32 v2, $0x3  }
0x2d: {  	v2 =	vand.u32 $0x7, v2;
	v3 =	vand.u32 $0xFFFFFFC0, v3  }
0x2e: {  	v2 =	vor.u32 v2, v3  }
0x2f: {  	v2 =	vperm.xlane v2, v0;
	_ =	sdelay $0x1  }
0x30: {  	v2 =	vadd.s32 v1, v2;
	_ =	sdelay $0x4  }
0x31: {  	[tilespmem:s17], [sflag:$0x1] =	stream.indirect_vreg.gather [hbm4b:s4+s2], $0x80, v2, vm0, $0xb8;
	[tilespmem:$0x8800] =	vst v63  }
0x32: {  	_ = 	snop  }
0x33: {  	[tilespmem:s18], [sflag:$0x1] =	stream.indirect_vreg.gather [hbm4b:s12+s2], $0x80, v2, vm0, $0xb8;
	[tilespmem:$0x8800] =	vst v63  }
0x34: {  	_ = 	snop  }
0x35: {  	[tilespmem:s19], [sflag:$0x1] =	stream.indirect_vreg.gather [hbm4b:s14+s2], $0x80, v2, vm0, $0xb8;
	[tilespmem:$0x8800] =	vst v63  }
0x36: {  	_ = 	snop  }
0x37: {  	[tilespmem:s20], [sflag:$0x1] =	stream.indirect_vreg.gather [hbm4b:s1+s2], $0x80, v2, vm0, $0xb8;
	[tilespmem:$0x8800] =	vst v63  }
0x38: {  	_ =	swait.ge [sflag:s21], $0x2000  }
0x39: {  	[sflag:s21] =	ssyncset.done $0x0  }
0x3a: {  	[sflag:s21] =	ssyncadd.s32 $0xFFFFE000  }
0x3b: {  	[hbm4b:s3+s2] =	stream.linear.scatter [tilespmem:s11], [sflag:$0x2], $0x2000, $0x38;
	[tilespmem:$0x8800] =	vst v63  }
0x3c: {  	v2 =	vld.msk [tilespmem:$0x100], $0xff;
	_ =	sdelay $0x4  }
0x3d: {  	v3 =	vshll.u32 v2, $0x3  }
0x3e: {  	v2 =	vand.u32 $0x7, v2;
	v3 =	vand.u32 $0xFFFFFFC0, v3  }
0x3f: {  	v2 =	vor.u32 v2, v3  }
0x40: {  	v2 =	vperm.xlane v2, v0;
	_ =	sdelay $0x1  }
0x41: {  	v2 =	vadd.s32 v1, v2;
	_ =	sdelay $0x4  }
0x42: {  	[tilespmem:s22], [sflag:$0x1] =	stream.indirect_vreg.gather [hbm4b:s4+s2], $0x80, v2, vm0, $0xb8;
	[tilespmem:$0x8800] =	vst v63  }
0x43: {  	_ = 	snop  }
0x44: {  	[tilespmem:s23], [sflag:$0x1] =	stream.indirect_vreg.gather [hbm4b:s12+s2], $0x80, v2, vm0, $0xb8;
	[tilespmem:$0x8800] =	vst v63  }
0x45: {  	_ = 	snop  }
0x46: {  	[tilespmem:s24], [sflag:$0x1] =	stream.indirect_vreg.gather [hbm4b:s14+s2], $0x80, v2, vm0, $0xb8;
	[tilespmem:$0x8800] =	vst v63  }
0x47: {  	_ = 	snop  }
0x48: {  	[tilespmem:s25], [sflag:$0x1] =	stream.indirect_vreg.gather [hbm4b:s1+s2], $0x80, v2, vm0, $0xb8;
	[tilespmem:$0x8800] =	vst v63  }
0x49: {  	_ =	swait.ge [sflag:s21], $0x2000  }
0x4a: {  	[sflag:s21] =	ssyncset.done $0x0  }
0x4b: {  	s0 =	rddreg [dreg:$0x4];
	[sflag:s21] =	ssyncadd.s32 $0xFFFFE000  }
0x4c: {  	[hbm4b:s0+s2] =	stream.linear.scatter [tilespmem:s17], [sflag:$0x2], $0x2000, $0x38;
	[tilespmem:$0x8800] =	vst v63  }
0x4d: {  	v2 =	vld.msk [tilespmem:$0x180], $0xff;
	_ =	sdelay $0x4  }
0x4e: {  	v3 =	vshll.u32 v2, $0x3  }
0x4f: {  	v2 =	vand.u32 $0x7, v2;
	v3 =	vand.u32 $0xFFFFFFC0, v3  }
0x50: {  	v2 =	vor.u32 v2, v3  }
0x51: {  	v2 =	vperm.xlane v2, v0;
	_ =	sdelay $0x1  }
0x52: {  	v2 =	vadd.s32 v1, v2;
	_ =	sdelay $0x4  }
0x53: {  	[tilespmem:s26], [sflag:$0x1] =	stream.indirect_vreg.gather [hbm4b:s4+s2], $0x80, v2, vm0, $0xb8;
	[tilespmem:$0x8800] =	vst v63  }
0x54: {  	_ = 	snop  }
0x55: {  	[tilespmem:s28], [sflag:$0x1] =	stream.indirect_vreg.gather [hbm4b:s12+s2], $0x80, v2, vm0, $0xb8;
	[tilespmem:$0x8800] =	vst v63  }
0x56: {  	_ = 	snop  }
0x57: {  	[tilespmem:s29], [sflag:$0x1] =	stream.indirect_vreg.gather [hbm4b:s14+s2], $0x80, v2, vm0, $0xb8;
	[tilespmem:$0x8800] =	vst v63  }
0x58: {  	_ = 	snop  }
0x59: {  	[tilespmem:s30], [sflag:$0x1] =	stream.indirect_vreg.gather [hbm4b:s1+s2], $0x80, v2, vm0, $0xb8;
	[tilespmem:$0x8800] =	vst v63  }
0x5a: {  	_ =	swait.ge [sflag:s21], $0x2000  }
0x5b: {  	[sflag:s21] =	ssyncset.done $0x0  }
0x5c: {  	s0 =	rddreg [dreg:$0x5];
	[sflag:s21] =	ssyncadd.s32 $0xFFFFE000  }
0x5d: {  	[hbm4b:s0+s2] =	stream.linear.scatter [tilespmem:s22], [sflag:$0x2], $0x2000, $0x38;
	[tilespmem:$0x8800] =	vst v63  }
0x5e: {  	_ =	swait.ge [sflag:s31], $0x2000  }
0x5f: {  	[sflag:s31] =	ssyncset.done $0x0  }
0x60: {  	[sflag:s31] =	ssyncadd.s32 $0xFFFFE000  }
0x61: {  	v2 =	vld.msk [tilespmem:$0x200], $0xff;
	_ =	sdelay $0x4  }
0x62: {  	v3 =	vshll.u32 v2, $0x3  }
0x63: {  	v2 =	vand.u32 $0x7, v2;
	v3 =	vand.u32 $0xFFFFFFC0, v3  }
0x64: {  	v2 =	vor.u32 v2, v3  }
0x65: {  	v2 =	vperm.xlane v2, v0;
	_ =	sdelay $0x1  }
0x66: {  	v2 =	vadd.s32 v1, v2;
	_ =	sdelay $0x4  }
0x67: {  	[tilespmem:s11], [sflag:$0x1] =	stream.indirect_vreg.gather [hbm4b:s4+s2], $0x80, v2, vm0, $0xb8;
	[tilespmem:$0x8800] =	vst v63  }
0x68: {  	_ = 	snop  }
0x69: {  	[tilespmem:s13], [sflag:$0x1] =	stream.indirect_vreg.gather [hbm4b:s12+s2], $0x80, v2, vm0, $0xb8;
	[tilespmem:$0x8800] =	vst v63  }
0x6a: {  	_ = 	snop  }
0x6b: {  	[tilespmem:s15], [sflag:$0x1] =	stream.indirect_vreg.gather [hbm4b:s14+s2], $0x80, v2, vm0, $0xb8;
	[tilespmem:$0x8800] =	vst v63  }
0x6c: {  	_ = 	snop  }
0x6d: {  	[tilespmem:s16], [sflag:$0x1] =	stream.indirect_vreg.gather [hbm4b:s1+s2], $0x80, v2, vm0, $0xb8;
	[tilespmem:$0x8800] =	vst v63  }
0x6e: {  	_ =	swait.ge [sflag:s21], $0x2000  }
0x6f: {  	[sflag:s21] =	ssyncset.done $0x0  }
0x70: {  	s0 =	rddreg [dreg:$0x6];
	[sflag:s21] =	ssyncadd.s32 $0xFFFFE000  }
0x71: {  	[hbm4b:s0+s2] =	stream.linear.scatter [tilespmem:s26], [sflag:$0x2], $0x2000, $0x38;
	[tilespmem:$0x8800] =	vst v63  }
0x72: {  	_ =	swait.ge [sflag:s31], $0x2000  }
0x73: {  	[sflag:s31] =	ssyncset.done $0x0  }
0x74: {  	[sflag:s31] =	ssyncadd.s32 $0xFFFFE000  }
0x75: {  	v2 =	vld.msk [tilespmem:$0x280], $0xff;
	_ =	sdelay $0x4  }
0x76: {  	v3 =	vshll.u32 v2, $0x3  }
0x77: {  	v2 =	vand.u32 $0x7, v2;
	v3 =	vand.u32 $0xFFFFFFC0, v3  }
0x78: {  	v2 =	vor.u32 v2, v3  }
0x79: {  	v2 =	vperm.xlane v2, v0;
	_ =	sdelay $0x1  }
0x7a: {  	v2 =	vadd.s32 v1, v2;
	_ =	sdelay $0x4  }
0x7b: {  	[tilespmem:s17], [sflag:$0x1] =	stream.indirect_vreg.gather [hbm4b:s4+s2], $0x80, v2, vm0, $0xb8;
	[tilespmem:$0x8800] =	vst v63  }
0x7c: {  	_ = 	snop  }
0x7d: {  	[tilespmem:s18], [sflag:$0x1] =	stream.indirect_vreg.gather [hbm4b:s12+s2], $0x80, v2, vm0, $0xb8;
	[tilespmem:$0x8800] =	vst v63  }
0x7e: {  	_ = 	snop  }
0x7f: {  	[tilespmem:s19], [sflag:$0x1] =	stream.indirect_vreg.gather [hbm4b:s14+s2], $0x80, v2, vm0, $0xb8;
	[tilespmem:$0x8800] =	vst v63  }
0x80: {  	_ = 	snop  }
0x81: {  	[tilespmem:s20], [sflag:$0x1] =	stream.indirect_vreg.gather [hbm4b:s1+s2], $0x80, v2, vm0, $0xb8;
	[tilespmem:$0x8800] =	vst v63  }
0x82: {  	_ =	swait.ge [sflag:s21], $0x2000  }
0x83: {  	[sflag:s21] =	ssyncset.done $0x0  }
0x84: {  	s0 =	rddreg [dreg:$0x7];
	[sflag:s21] =	ssyncadd.s32 $0xFFFFE000  }
0x85: {  	[hbm4b:s0+s2] =	stream.linear.scatter [tilespmem:s11], [sflag:$0x2], $0x2000, $0x38;
	[tilespmem:$0x8800] =	vst v63  }
0x86: {  	_ =	swait.ge [sflag:s31], $0x2000  }
0x87: {  	[sflag:s31] =	ssyncset.done $0x0  }
0x88: {  	[sflag:s31] =	ssyncadd.s32 $0xFFFFE000  }
0x89: {  	v2 =	vld.msk [tilespmem:$0x300], $0xff;
	_ =	sdelay $0x4  }
0x8a: {  	v3 =	vshll.u32 v2, $0x3  }
0x8b: {  	v2 =	vand.u32 $0x7, v2;
	v3 =	vand.u32 $0xFFFFFFC0, v3  }
0x8c: {  	v2 =	vor.u32 v2, v3  }
0x8d: {  	v2 =	vperm.xlane v2, v0;
	_ =	sdelay $0x1  }
0x8e: {  	v2 =	vadd.s32 v1, v2;
	_ =	sdelay $0x4  }
0x8f: {  	[tilespmem:s22], [sflag:$0x1] =	stream.indirect_vreg.gather [hbm4b:s4+s2], $0x80, v2, vm0, $0xb8;
	[tilespmem:$0x8800] =	vst v63  }
0x90: {  	_ = 	snop  }
0x91: {  	[tilespmem:s23], [sflag:$0x1] =	stream.indirect_vreg.gather [hbm4b:s12+s2], $0x80, v2, vm0, $0xb8;
	[tilespmem:$0x8800] =	vst v63  }
0x92: {  	_ = 	snop  }
0x93: {  	[tilespmem:s24], [sflag:$0x1] =	stream.indirect_vreg.gather [hbm4b:s14+s2], $0x80, v2, vm0, $0xb8;
	[tilespmem:$0x8800] =	vst v63  }
0x94: {  	_ = 	snop  }
0x95: {  	[tilespmem:s25], [sflag:$0x1] =	stream.indirect_vreg.gather [hbm4b:s1+s2], $0x80, v2, vm0, $0xb8;
	[tilespmem:$0x8800] =	vst v63  }
0x96: {  	_ =	swait.ge [sflag:s21], $0x2000  }
0x97: {  	[sflag:s21] =	ssyncset.done $0x0  }
0x98: {  	s0 =	rddreg [dreg:$0x8];
	[sflag:s21] =	ssyncadd.s32 $0xFFFFE000  }
0x99: {  	[hbm4b:s0+s2] =	stream.linear.scatter [tilespmem:s17], [sflag:$0x2], $0x2000, $0x38;
	[tilespmem:$0x8800] =	vst v63  }
0x9a: {  	_ =	swait.ge [sflag:s31], $0x2000  }
0x9b: {  	[sflag:s31] =	ssyncset.done $0x0  }
0x9c: {  	[sflag:s31] =	ssyncadd.s32 $0xFFFFE000  }
0x9d: {  	v2 =	vld.msk [tilespmem:$0x380], $0xff;
	_ =	sdelay $0x4  }
0x9e: {  	v3 =	vshll.u32 v2, $0x3  }
0x9f: {  	v2 =	vand.u32 $0x7, v2;
	v3 =	vand.u32 $0xFFFFFFC0, v3  }
0xa0: {  	v2 =	vor.u32 v2, v3  }
0xa1: {  	v2 =	vperm.xlane v2, v0;
	_ =	sdelay $0x1  }
0xa2: {  	v2 =	vadd.s32 v1, v2;
	_ =	sdelay $0x4  }
0xa3: {  	[tilespmem:s26], [sflag:$0x1] =	stream.indirect_vreg.gather [hbm4b:s4+s2], $0x80, v2, vm0, $0xb8;
	[tilespmem:$0x8800] =	vst v63  }
0xa4: {  	_ = 	snop  }
0xa5: {  	[tilespmem:s28], [sflag:$0x1] =	stream.indirect_vreg.gather [hbm4b:s12+s2], $0x80, v2, vm0, $0xb8;
	[tilespmem:$0x8800] =	vst v63  }
0xa6: {  	_ = 	snop  }
0xa7: {  	[tilespmem:s29], [sflag:$0x1] =	stream.indirect_vreg.gather [hbm4b:s14+s2], $0x80, v2, vm0, $0xb8;
	[tilespmem:$0x8800] =	vst v63  }
0xa8: {  	_ = 	snop  }
0xa9: {  	[tilespmem:s30], [sflag:$0x1] =	stream.indirect_vreg.gather [hbm4b:s1+s2], $0x80, v2, vm0, $0xb8;
	[tilespmem:$0x8800] =	vst v63  }
0xaa: {  	_ =	swait.ge [sflag:s21], $0x2000  }
0xab: {  	[sflag:s21] =	ssyncset.done $0x0  }
0xac: {  	s0 =	rddreg [dreg:$0x9];
	[sflag:s21] =	ssyncadd.s32 $0xFFFFE000  }
0xad: {  	[hbm4b:s0+s2] =	stream.linear.scatter [tilespmem:s22], [sflag:$0x2], $0x2000, $0x38;
	[tilespmem:$0x8800] =	vst v63  }
0xae: {  	_ =	swait.ge [sflag:s31], $0x2000  }
0xaf: {  	[sflag:s31] =	ssyncset.done $0x0  }
0xb0: {  	[sflag:s31] =	ssyncadd.s32 $0xFFFFE000  }
0xb1: {  	v2 =	vld.msk [tilespmem:$0x400], $0xff;
	_ =	sdelay $0x4  }
0xb2: {  	v3 =	vshll.u32 v2, $0x3  }
0xb3: {  	v2 =	vand.u32 $0x7, v2;
	v3 =	vand.u32 $0xFFFFFFC0, v3  }
0xb4: {  	v2 =	vor.u32 v2, v3  }
0xb5: {  	v2 =	vperm.xlane v2, v0;
	_ =	sdelay $0x1  }
0xb6: {  	v2 =	vadd.s32 v1, v2;
	_ =	sdelay $0x4  }
0xb7: {  	[tilespmem:s11], [sflag:$0x1] =	stream.indirect_vreg.gather [hbm4b:s4+s2], $0x80, v2, vm0, $0xb8;
	[tilespmem:$0x8800] =	vst v63  }
0xb8: {  	_ = 	snop  }
0xb9: {  	[tilespmem:s13], [sflag:$0x1] =	stream.indirect_vreg.gather [hbm4b:s12+s2], $0x80, v2, vm0, $0xb8;
	[tilespmem:$0x8800] =	vst v63  }
0xba: {  	_ = 	snop  }
0xbb: {  	[tilespmem:s15], [sflag:$0x1] =	stream.indirect_vreg.gather [hbm4b:s14+s2], $0x80, v2, vm0, $0xb8;
	[tilespmem:$0x8800] =	vst v63  }
0xbc: {  	_ = 	snop  }
0xbd: {  	[tilespmem:s16], [sflag:$0x1] =	stream.indirect_vreg.gather [hbm4b:s1+s2], $0x80, v2, vm0, $0xb8;
	[tilespmem:$0x8800] =	vst v63  }
0xbe: {  	_ =	swait.ge [sflag:s21], $0x2000  }
0xbf: {  	[sflag:s21] =	ssyncset.done $0x0  }
0xc0: {  	s0 =	rddreg [dreg:$0xa];
	[sflag:s21] =	ssyncadd.s32 $0xFFFFE000  }
0xc1: {  	[hbm4b:s0+s2] =	stream.linear.scatter [tilespmem:s26], [sflag:$0x2], $0x2000, $0x38;
	[tilespmem:$0x8800] =	vst v63  }
0xc2: {  	_ =	swait.ge [sflag:s31], $0x2000  }
0xc3: {  	[sflag:s31] =	ssyncset.done $0x0  }
0xc4: {  	[sflag:s31] =	ssyncadd.s32 $0xFFFFE000  }
0xc5: {  	v2 =	vld.msk [tilespmem:$0x480], $0xff;
	_ =	sdelay $0x4  }
0xc6: {  	v3 =	vshll.u32 v2, $0x3  }
0xc7: {  	v2 =	vand.u32 $0x7, v2;
	v3 =	vand.u32 $0xFFFFFFC0, v3  }
0xc8: {  	v2 =	vor.u32 v2, v3  }
0xc9: {  	v2 =	vperm.xlane v2, v0;
	_ =	sdelay $0x1  }
0xca: {  	v2 =	vadd.s32 v1, v2;
	_ =	sdelay $0x4  }
0xcb: {  	[tilespmem:s17], [sflag:$0x1] =	stream.indirect_vreg.gather [hbm4b:s4+s2], $0x80, v2, vm0, $0xb8;
	[tilespmem:$0x8800] =	vst v63  }
0xcc: {  	_ = 	snop  }
0xcd: {  	[tilespmem:s18], [sflag:$0x1] =	stream.indirect_vreg.gather [hbm4b:s12+s2], $0x80, v2, vm0, $0xb8;
	[tilespmem:$0x8800] =	vst v63  }
0xce: {  	_ = 	snop  }
0xcf: {  	[tilespmem:s19], [sflag:$0x1] =	stream.indirect_vreg.gather [hbm4b:s14+s2], $0x80, v2, vm0, $0xb8;
	[tilespmem:$0x8800] =	vst v63  }
0xd0: {  	_ = 	snop  }
0xd1: {  	[tilespmem:s20], [sflag:$0x1] =	stream.indirect_vreg.gather [hbm4b:s1+s2], $0x80, v2, vm0, $0xb8;
	[tilespmem:$0x8800] =	vst v63  }
0xd2: {  	_ =	swait.ge [sflag:s21], $0x2000  }
0xd3: {  	[sflag:s21] =	ssyncset.done $0x0  }
0xd4: {  	s0 =	rddreg [dreg:$0xb];
	[sflag:s21] =	ssyncadd.s32 $0xFFFFE000  }
0xd5: {  	[hbm4b:s0+s2] =	stream.linear.scatter [tilespmem:s11], [sflag:$0x2], $0x2000, $0x38;
	[tilespmem:$0x8800] =	vst v63  }
0xd6: {  	_ =	swait.ge [sflag:s31], $0x2000  }
0xd7: {  	[sflag:s31] =	ssyncset.done $0x0  }
0xd8: {  	[sflag:s31] =	ssyncadd.s32 $0xFFFFE000  }
0xd9: {  	v2 =	vld.msk [tilespmem:$0x500], $0xff;
	_ =	sdelay $0x4  }
0xda: {  	v3 =	vshll.u32 v2, $0x3  }
0xdb: {  	v2 =	vand.u32 $0x7, v2;
	v3 =	vand.u32 $0xFFFFFFC0, v3  }
0xdc: {  	v2 =	vor.u32 v2, v3  }
0xdd: {  	v2 =	vperm.xlane v2, v0;
	_ =	sdelay $0x1  }
0xde: {  	v2 =	vadd.s32 v1, v2;
	_ =	sdelay $0x4  }
0xdf: {  	[tilespmem:s22], [sflag:$0x1] =	stream.indirect_vreg.gather [hbm4b:s4+s2], $0x80, v2, vm0, $0xb8;
	[tilespmem:$0x8800] =	vst v63  }
0xe0: {  	_ = 	snop  }
0xe1: {  	[tilespmem:s23], [sflag:$0x1] =	stream.indirect_vreg.gather [hbm4b:s12+s2], $0x80, v2, vm0, $0xb8;
	[tilespmem:$0x8800] =	vst v63  }
0xe2: {  	_ = 	snop  }
0xe3: {  	[tilespmem:s24], [sflag:$0x1] =	stream.indirect_vreg.gather [hbm4b:s14+s2], $0x80, v2, vm0, $0xb8;
	[tilespmem:$0x8800] =	vst v63  }
0xe4: {  	_ = 	snop  }
0xe5: {  	[tilespmem:s25], [sflag:$0x1] =	stream.indirect_vreg.gather [hbm4b:s1+s2], $0x80, v2, vm0, $0xb8;
	[tilespmem:$0x8800] =	vst v63  }
0xe6: {  	_ =	swait.ge [sflag:s21], $0x2000  }
0xe7: {  	[sflag:s21] =	ssyncset.done $0x0  }
0xe8: {  	s0 =	rddreg [dreg:$0xc];
	[sflag:s21] =	ssyncadd.s32 $0xFFFFE000  }
0xe9: {  	[hbm4b:s0+s2] =	stream.linear.scatter [tilespmem:s17], [sflag:$0x2], $0x2000, $0x38;
	[tilespmem:$0x8800] =	vst v63  }
0xea: {  	_ =	swait.ge [sflag:s31], $0x2000  }
0xeb: {  	[sflag:s31] =	ssyncset.done $0x0  }
0xec: {  	[sflag:s31] =	ssyncadd.s32 $0xFFFFE000  }
0xed: {  	v2 =	vld.msk [tilespmem:$0x580], $0xff;
	_ =	sdelay $0x4  }
0xee: {  	v3 =	vshll.u32 v2, $0x3  }
0xef: {  	v2 =	vand.u32 $0x7, v2;
	v3 =	vand.u32 $0xFFFFFFC0, v3  }
0xf0: {  	v2 =	vor.u32 v2, v3  }
0xf1: {  	v2 =	vperm.xlane v2, v0;
	_ =	sdelay $0x1  }
0xf2: {  	v2 =	vadd.s32 v1, v2;
	_ =	sdelay $0x4  }
0xf3: {  	[tilespmem:s26], [sflag:$0x1] =	stream.indirect_vreg.gather [hbm4b:s4+s2], $0x80, v2, vm0, $0xb8;
	[tilespmem:$0x8800] =	vst v63  }
0xf4: {  	_ = 	snop  }
0xf5: {  	[tilespmem:s28], [sflag:$0x1] =	stream.indirect_vreg.gather [hbm4b:s12+s2], $0x80, v2, vm0, $0xb8;
	[tilespmem:$0x8800] =	vst v63  }
0xf6: {  	_ = 	snop  }
0xf7: {  	[tilespmem:s29], [sflag:$0x1] =	stream.indirect_vreg.gather [hbm4b:s14+s2], $0x80, v2, vm0, $0xb8;
	[tilespmem:$0x8800] =	vst v63  }
0xf8: {  	_ = 	snop  }
0xf9: {  	[tilespmem:s30], [sflag:$0x1] =	stream.indirect_vreg.gather [hbm4b:s1+s2], $0x80, v2, vm0, $0xb8;
	[tilespmem:$0x8800] =	vst v63  }
0xfa: {  	_ =	swait.ge [sflag:s21], $0x2000  }
0xfb: {  	[sflag:s21] =	ssyncset.done $0x0  }
0xfc: {  	s0 =	rddreg [dreg:$0xd];
	[sflag:s21] =	ssyncadd.s32 $0xFFFFE000  }
0xfd: {  	[hbm4b:s0+s2] =	stream.linear.scatter [tilespmem:s22], [sflag:$0x2], $0x2000, $0x38;
	[tilespmem:$0x8800] =	vst v63  }
0xfe: {  	_ =	swait.ge [sflag:s31], $0x2000  }
0xff: {  	[sflag:s31] =	ssyncset.done $0x0  }
0x100: {  	[sflag:s31] =	ssyncadd.s32 $0xFFFFE000  }
0x101: {  	v2 =	vld.msk [tilespmem:$0x600], $0xff;
	_ =	sdelay $0x4  }
0x102: {  	v3 =	vshll.u32 v2, $0x3  }
0x103: {  	v2 =	vand.u32 $0x7, v2;
	v3 =	vand.u32 $0xFFFFFFC0, v3  }
0x104: {  	v2 =	vor.u32 v2, v3  }
0x105: {  	v2 =	vperm.xlane v2, v0;
	_ =	sdelay $0x1  }
0x106: {  	v2 =	vadd.s32 v1, v2;
	_ =	sdelay $0x4  }
0x107: {  	[tilespmem:s11], [sflag:$0x1] =	stream.indirect_vreg.gather [hbm4b:s4+s2], $0x80, v2, vm0, $0xb8;
	[tilespmem:$0x8800] =	vst v63  }
0x108: {  	_ = 	snop  }
0x109: {  	[tilespmem:s13], [sflag:$0x1] =	stream.indirect_vreg.gather [hbm4b:s12+s2], $0x80, v2, vm0, $0xb8;
	[tilespmem:$0x8800] =	vst v63  }
0x10a: {  	_ = 	snop  }
0x10b: {  	[tilespmem:s15], [sflag:$0x1] =	stream.indirect_vreg.gather [hbm4b:s14+s2], $0x80, v2, vm0, $0xb8;
	[tilespmem:$0x8800] =	vst v63  }
0x10c: {  	_ = 	snop  }
0x10d: {  	[tilespmem:s16], [sflag:$0x1] =	stream.indirect_vreg.gather [hbm4b:s1+s2], $0x80, v2, vm0, $0xb8;
	[tilespmem:$0x8800] =	vst v63  }
0x10e: {  	_ =	swait.ge [sflag:s21], $0x2000  }
0x10f: {  	[sflag:s21] =	ssyncset.done $0x0  }
0x110: {  	s0 =	rddreg [dreg:$0xe];
	[sflag:s21] =	ssyncadd.s32 $0xFFFFE000  }
0x111: {  	[hbm4b:s0+s2] =	stream.linear.scatter [tilespmem:s26], [sflag:$0x2], $0x2000, $0x38;
	[tilespmem:$0x8800] =	vst v63  }
0x112: {  	_ =	swait.ge [sflag:s31], $0x2000  }
0x113: {  	[sflag:s31] =	ssyncset.done $0x0  }
0x114: {  	[sflag:s31] =	ssyncadd.s32 $0xFFFFE000  }
0x115: {  	v2 =	vld.msk [tilespmem:$0x680], $0xff;
	_ =	sdelay $0x4  }
0x116: {  	v3 =	vshll.u32 v2, $0x3  }
0x117: {  	v2 =	vand.u32 $0x7, v2;
	v3 =	vand.u32 $0xFFFFFFC0, v3  }
0x118: {  	v2 =	vor.u32 v2, v3  }
0x119: {  	v2 =	vperm.xlane v2, v0;
	_ =	sdelay $0x1  }
0x11a: {  	v2 =	vadd.s32 v1, v2;
	_ =	sdelay $0x4  }
0x11b: {  	[tilespmem:s17], [sflag:$0x1] =	stream.indirect_vreg.gather [hbm4b:s4+s2], $0x80, v2, vm0, $0xb8;
	[tilespmem:$0x8800] =	vst v63  }
0x11c: {  	_ = 	snop  }
0x11d: {  	[tilespmem:s18], [sflag:$0x1] =	stream.indirect_vreg.gather [hbm4b:s12+s2], $0x80, v2, vm0, $0xb8;
	[tilespmem:$0x8800] =	vst v63  }
0x11e: {  	_ = 	snop  }
0x11f: {  	[tilespmem:s19], [sflag:$0x1] =	stream.indirect_vreg.gather [hbm4b:s14+s2], $0x80, v2, vm0, $0xb8;
	[tilespmem:$0x8800] =	vst v63  }
0x120: {  	_ = 	snop  }
0x121: {  	[tilespmem:s20], [sflag:$0x1] =	stream.indirect_vreg.gather [hbm4b:s1+s2], $0x80, v2, vm0, $0xb8;
	[tilespmem:$0x8800] =	vst v63  }
0x122: {  	_ =	swait.ge [sflag:s21], $0x2000  }
0x123: {  	[sflag:s21] =	ssyncset.done $0x0  }
0x124: {  	[sflag:s21] =	ssyncadd.s32 $0xFFFFE000  }
0x125: {  	[hbm4b:s5+s2] =	stream.linear.scatter [tilespmem:s11], [sflag:$0x2], $0x2000, $0x38;
	[tilespmem:$0x8800] =	vst v63  }
0x126: {  	_ =	swait.ge [sflag:s31], $0x2000  }
0x127: {  	[sflag:s31] =	ssyncset.done $0x0  }
0x128: {  	[sflag:s31] =	ssyncadd.s32 $0xFFFFE000  }
0x129: {  	v2 =	vld.msk [tilespmem:$0x700], $0xff;
	_ =	sdelay $0x4  }
0x12a: {  	v3 =	vshll.u32 v2, $0x3  }
0x12b: {  	v2 =	vand.u32 $0x7, v2;
	v3 =	vand.u32 $0xFFFFFFC0, v3  }
0x12c: {  	v2 =	vor.u32 v2, v3  }
0x12d: {  	v2 =	vperm.xlane v2, v0;
	_ =	sdelay $0x1  }
0x12e: {  	v2 =	vadd.s32 v1, v2;
	_ =	sdelay $0x4  }
0x12f: {  	[tilespmem:s22], [sflag:$0x1] =	stream.indirect_vreg.gather [hbm4b:s4+s2], $0x80, v2, vm0, $0xb8;
	[tilespmem:$0x8800] =	vst v63  }
0x130: {  	_ = 	snop  }
0x131: {  	[tilespmem:s23], [sflag:$0x1] =	stream.indirect_vreg.gather [hbm4b:s12+s2], $0x80, v2, vm0, $0xb8;
	[tilespmem:$0x8800] =	vst v63  }
0x132: {  	_ = 	snop  }
0x133: {  	[tilespmem:s24], [sflag:$0x1] =	stream.indirect_vreg.gather [hbm4b:s14+s2], $0x80, v2, vm0, $0xb8;
	[tilespmem:$0x8800] =	vst v63  }
0x134: {  	_ = 	snop  }
0x135: {  	[tilespmem:s25], [sflag:$0x1] =	stream.indirect_vreg.gather [hbm4b:s1+s2], $0x80, v2, vm0, $0xb8;
	[tilespmem:$0x8800] =	vst v63  }
0x136: {  	_ =	swait.ge [sflag:s21], $0x2000  }
0x137: {  	[sflag:s21] =	ssyncset.done $0x0  }
0x138: {  	[sflag:s21] =	ssyncadd.s32 $0xFFFFE000  }
0x139: {  	[hbm4b:s6+s2] =	stream.linear.scatter [tilespmem:s17], [sflag:$0x2], $0x2000, $0x38;
	[tilespmem:$0x8800] =	vst v63  }
0x13a: {  	_ =	swait.ge [sflag:s31], $0x2000  }
0x13b: {  	[sflag:s31] =	ssyncset.done $0x0  }
0x13c: {  	[sflag:s31] =	ssyncadd.s32 $0xFFFFE000  }
0x13d: {  	v2 =	vld.msk [tilespmem:$0x780], $0xff;
	_ =	sdelay $0x4  }
0x13e: {  	v3 =	vshll.u32 v2, $0x3  }
0x13f: {  	v2 =	vand.u32 $0x7, v2;
	v3 =	vand.u32 $0xFFFFFFC0, v3  }
0x140: {  	v2 =	vor.u32 v2, v3  }
0x141: {  	v2 =	vperm.xlane v2, v0;
	_ =	sdelay $0x1  }
0x142: {  	v2 =	vadd.s32 v1, v2;
	_ =	sdelay $0x4  }
0x143: {  	[tilespmem:s26], [sflag:$0x1] =	stream.indirect_vreg.gather [hbm4b:s4+s2], $0x80, v2, vm0, $0xb8;
	[tilespmem:$0x8800] =	vst v63  }
0x144: {  	_ = 	snop  }
0x145: {  	[tilespmem:s28], [sflag:$0x1] =	stream.indirect_vreg.gather [hbm4b:s12+s2], $0x80, v2, vm0, $0xb8;
	[tilespmem:$0x8800] =	vst v63  }
0x146: {  	_ = 	snop  }
0x147: {  	[tilespmem:s29], [sflag:$0x1] =	stream.indirect_vreg.gather [hbm4b:s14+s2], $0x80, v2, vm0, $0xb8;
	[tilespmem:$0x8800] =	vst v63  }
0x148: {  	_ = 	snop  }
0x149: {  	[tilespmem:s30], [sflag:$0x1] =	stream.indirect_vreg.gather [hbm4b:s1+s2], $0x80, v2, vm0, $0xb8;
	[tilespmem:$0x8800] =	vst v63  }
0x14a: {  	_ =	swait.ge [sflag:s21], $0x2000  }
0x14b: {  	[sflag:s21] =	ssyncset.done $0x0  }
0x14c: {  	[sflag:s21] =	ssyncadd.s32 $0xFFFFE000  }
0x14d: {  	[hbm4b:s7+s2] =	stream.linear.scatter [tilespmem:s22], [sflag:$0x2], $0x2000, $0x38;
	[tilespmem:$0x8800] =	vst v63  }
0x14e: {  	_ =	swait.ge [sflag:s21], $0x2000  }
0x14f: {  	[sflag:s21] =	ssyncset.done $0x0  }
0x150: {  	[sflag:s21] =	ssyncadd.s32 $0xFFFFE000  }
0x151: {  	[hbm4b:s8+s2] =	stream.linear.scatter [tilespmem:s26], [sflag:$0x2], $0x2000, $0x38;
	[tilespmem:$0x8800] =	vst v63  }
0x152: {  	_ =	swait.ge [sflag:s31], $0x2000  }
0x153: {  	[sflag:s31] =	ssyncset.done $0x0  }
0x154: {  	[sflag:s31] =	ssyncadd.s32 $0xFFFFE000  }
0x155: {  	_ =	swait.ge [sflag:s31], $0x2000  }
0x156: {  	[sflag:s31] =	ssyncset.done $0x0  }
0x157: {  	[sflag:s31] =	ssyncadd.s32 $0xFFFFE000  }
0x158: {  	p0 =	sne.s32 s9, $0x1;
	_ =	swait.ge [sflag:s31], $0x2000  }
.Ltmp0:
0x159: {  	[sflag:s31] =	ssyncset.done $0x0;
	(pc) =	sbr.rel @p0 .LBB2_1-.Ltmp0, $4  }
0x15a: {  	[sflag:s31] =	ssyncadd.s32 $0xFFFFE000  }
0x15b: {  	_ =	swait.ge [sflag:s31], $0x2000  }
0x15c: {  	[sflag:s31] =	ssyncset.done $0x0  }
0x15d: {  	s9 =	sadd.s32 $0xFFFFFFFF, s9;
	[sflag:s31] =	ssyncadd.s32 $0xFFFFE000  }
0x15e: {  	_ =	sfence.sel $0x180000  }
0x15f: {  	[bflag:$0x0] =	sbarrier.arrive $0xFFFF  }
0x160: {  	_ =	strace $0x90000047  }
0x161: {  	s0 =	stileid.u32;
	[bflag:$0x2] =	sbarrier.arrive $0xFFFF  }
0x162: {  	p0 =	sne.s32 s0, $0x0;
	s0 =	rddreg [dreg:$0x2]  }
0x163: {  	s0 =	sadd.s32 @!p0 $0x100000, s0  }
0x164: {  	[sflag:s0] =	ssyncadd.tile.s32 @!p0 $0x1;
	_ =	shalt  }
.Lfunc_end2:
_tile_overlayer_lowered:
.L_overlay_start_2:
0x165: {  	(tag) =	ssettag $0x2  }
0x166: {  	s0 =	rddreg [dreg:$0x0];
	s2 =	stileid.u32  }
0x167: {  	s1 =	rddreg [dreg:$0x1];
	p0 =	sne.s32 s2, $0x0  }
0x168: {  	s3 =	rddreg [dreg:$0x2];
	[bflag:$0x3] =	sbarrier.arrive $0xFFFF;
	s2 =	simm.s32 @!p0 $0x1C03  }
0x169: {  	[timem:s3], [sflag:s2] =	dma.local @!p0 [hbm:s0], s1  }
0x16a: {  	s0 =	simm.s32 @!p0 $0x3  }
0x16b: {  	_ =	swait.ge @!p0 [sflag:s0], s1  }
0x16c: {  	s1 =	ssub.s32 @!p0 $0x0, s1;
	[sflag:s0] =	ssyncset.done @!p0 $0x0  }
0x16d: {  	[sflag:s0] =	ssyncadd.s32 @!p0 s1  }
0x16e: {  	[bflag:$0x3] =	sbarrier.arrive $0xFFFF  }
0x16f: {  	_ =	shalt  }

</sc_bundles>
